<compile_context>
chip_gen: v7x
topology: tpu7x:2x2x1
jax: 0.10.2.dev20260603
libtpu: 0.0.44.dev20260713+nightly
codegen_flags: <defaults>
</compile_context>

<pallas_src>
import functools

import jax
import jax.numpy as jnp
from jax import lax
from jax.experimental import pallas as pl
from jax.experimental.pallas import tpu as pltpu
from jax.experimental.pallas import tpu_sc as plsc

DB = 32
NS = 16
LANES = 16
CHUNK = 1024
GR = 2
IR = 4


def _vbroadcast(vec, lane):
    idx = jnp.full((LANES, 1), lane, jnp.int32)
    return lax.gather(
        vec, idx,
        lax.GatherDimensionNumbers(offset_dims=(), collapsed_slice_dims=(0,),
                                   start_index_map=(0,)),
        (1,), mode=lax.GatherScatterMode.PROMISE_IN_BOUNDS)


def _proj_body(x_ref, w_ref, o_ref):
    o_ref[...] = jnp.dot(x_ref[...], w_ref[...],
                         preferred_element_type=jnp.float32)


def _bn_prelu(v, g, b, a, n):
    mean = jnp.sum(v, axis=0, keepdims=True) * (1.0 / n)
    var = jnp.sum(v * v, axis=0, keepdims=True) * (1.0 / n) - mean * mean
    y = g * (v - mean) * jax.lax.rsqrt(var + 1e-5) + b
    return jnp.where(y >= 0, y, a * y)


def _post_org_body(cat_ref, wm1_ref, g1_ref, b1_ref, a_ref, e1_ref):
    n = cat_ref.shape[0]
    y1 = _bn_prelu(cat_ref[:, 0:DB], g1_ref[...], b1_ref[...], a_ref[0], n)
    e1_ref[...] = jnp.dot(y1, wm1_ref[...], preferred_element_type=jnp.float32)


def _post_body(seg_ref, e1_ref, wm2_ref, g2_ref, b2_ref, a_ref, o_ref):
    n = seg_ref.shape[0]
    y2 = _bn_prelu(seg_ref[:, 0:2 * DB], g2_ref[...], b2_ref[...], a_ref[0], n)
    e = e1_ref[...] + jnp.dot(y2, wm2_ref[...],
                              preferred_element_type=jnp.float32)
    nrm = jnp.sqrt(jnp.sum(e * e, axis=1, keepdims=True))
    o_ref[...] = e / jnp.maximum(nrm, 1e-12)


def _spmm_sc_body(n, ep, cat_hbm, pidx_hbm, pw_hbm, nidx_hbm, nw_hbm, z_hbm,
                  out_hbm, col_v, row_v, w_v, gath_v, acc_s, xs_s,
                  gsem, ssem, isem_a, isem_b):
    c = lax.axis_index("c")
    s = lax.axis_index("s")

    zr = n // NS
    pltpu.sync_copy(z_hbm.at[pl.ds(s * zr, zr)], acc_s.at[pl.ds(s * zr, zr)])
    pltpu.sync_copy(cat_hbm.at[pl.ds(s * zr, zr), pl.ds(DB * (c + 1), DB)],
                    xs_s.at[pl.ds(s * zr, zr)])
    plsc.subcore_barrier()

    tile_edges = ep // NS
    n_chunks = tile_edges // CHUNK

    def fire_idx(k, sem):
        m = k % IR
        eoff = s * tile_edges + k * CHUNK

        @pl.when(c == 0)
        def _():
            pltpu.async_copy(pidx_hbm.at[1, pl.ds(eoff, CHUNK)],
                             col_v.at[m], sem)
            pltpu.async_copy(pidx_hbm.at[0, pl.ds(eoff, CHUNK)],
                             row_v.at[m], sem)
            pltpu.async_copy(pw_hbm.at[pl.ds(eoff, CHUNK)], w_v.at[m], sem)

        @pl.when(c == 1)
        def _():
            pltpu.async_copy(nidx_hbm.at[1, pl.ds(eoff, CHUNK)],
                             col_v.at[m], sem)
            pltpu.async_copy(nidx_hbm.at[0, pl.ds(eoff, CHUNK)],
                             row_v.at[m], sem)
            pltpu.async_copy(nw_hbm.at[pl.ds(eoff, CHUNK)], w_v.at[m], sem)

    def drain_idx(k, sem):
        m = k % IR
        pltpu.make_async_copy(pidx_hbm.at[1, pl.ds(0, CHUNK)],
                              col_v.at[m], sem).wait()
        pltpu.make_async_copy(pidx_hbm.at[0, pl.ds(0, CHUNK)],
                              row_v.at[m], sem).wait()
        pltpu.make_async_copy(pw_hbm.at[pl.ds(0, CHUNK)], w_v.at[m],
                              sem).wait()

    def fire_idx_alt(k):
        @pl.when(k % 2 == 0)
        def _():
            fire_idx(k, isem_a)

        @pl.when(k % 2 == 1)
        def _():
            fire_idx(k, isem_b)

    def drain_idx_alt(k):
        @pl.when(k % 2 == 0)
        def _():
            drain_idx(k, isem_a)

        @pl.when(k % 2 == 1)
        def _():
            drain_idx(k, isem_b)

    def fire_gather(k):
        pltpu.async_copy(xs_s.at[col_v.at[k % IR]], gath_v.at[k % GR], gsem)

    def drain_gather(k):
        pltpu.make_async_copy(xs_s.at[col_v.at[k % IR]], gath_v.at[k % GR],
                              gsem).wait()

    def fire_scatter(k):
        pltpu.async_copy(gath_v.at[k % GR], acc_s.at[row_v.at[k % IR]],
                         ssem, add=True)

    def drain_scatter(k):
        pltpu.make_async_copy(gath_v.at[k % GR], acc_s.at[row_v.at[k % IR]],
                              ssem).wait()

    fire_idx(0, isem_a)
    drain_idx(0, isem_a)
    fire_idx(1, isem_b)
    fire_gather(0)

    def chunk_body(k, carry):
        @pl.when(k < n_chunks - 2)
        def _():
            fire_idx_alt(k + 2)

        drain_gather(k)

        @pl.when(k >= 1)
        def _():
            drain_scatter(k - 1)

        @pl.when(k < n_chunks - 1)
        def _():
            drain_idx_alt(k + 1)
            fire_gather(k + 1)

        mg = k % GR
        mi = k % IR

        def scale_body(g, carry2):
            wgrp = w_v[mi, pl.ds(g * LANES, LANES)]
            for e in range(LANES):
                ws = _vbroadcast(wgrp, e)
                r = g * LANES + e
                gath_v[mg, r, 0:16] = gath_v[mg, r, 0:16] * ws
                gath_v[mg, r, 16:32] = gath_v[mg, r, 16:32] * ws
            return carry2

        lax.fori_loop(0, CHUNK // LANES, scale_body, 0)

        fire_scatter(k)
        return carry

    lax.fori_loop(0, n_chunks, chunk_body, 0)
    drain_scatter(n_chunks - 1)
    plsc.subcore_barrier()

    pltpu.sync_copy(acc_s.at[pl.ds(s * zr, zr)],
                    out_hbm.at[pl.ds(s * zr, zr), pl.ds(DB * c, DB)])


def kernel(x, pos_index, pos_weight, neg_index, neg_weight, other_index,
           other_weight, W_org, W_pos, W_neg, W_mlp, g_org, b_org, g_pos,
           b_pos, g_neg, b_neg, prelu_a):
    n, da = x.shape
    e = pos_index.shape[1]
    f32 = jnp.float32

    wcat = jnp.concatenate(
        [W_org, W_pos, W_neg, jnp.zeros((da, 128 - 3 * DB), f32)], axis=1)
    nblk = 10
    cat = pl.pallas_call(
        _proj_body,
        grid=(nblk,),
        in_specs=[pl.BlockSpec((n // nblk, da), lambda i: (i, 0)),
                  pl.BlockSpec((da, 128), lambda i: (0, 0))],
        out_specs=pl.BlockSpec((n // nblk, 128), lambda i: (i, 0)),
        out_shape=jax.ShapeDtypeStruct((n, 128), f32),
    )(x, wcat)

    step = NS * CHUNK
    ep = ((e + step - 1) // step) * step
    pad = ep - e
    if pad:
        pos_index = jnp.pad(pos_index, ((0, 0), (0, pad)))
        neg_index = jnp.pad(neg_index, ((0, 0), (0, pad)))
        pos_weight = jnp.pad(pos_weight, (0, pad))
        neg_weight = jnp.pad(neg_weight, (0, pad))
    zeros = jnp.zeros((n, DB), f32)

    mesh = plsc.VectorSubcoreMesh(core_axis_name="c", subcore_axis_name="s")
    spmm = pl.kernel(
        functools.partial(_spmm_sc_body, n, ep),
        out_type=jax.ShapeDtypeStruct((n, 128), f32),
        mesh=mesh,
        scratch_types=[
            pltpu.VMEM((IR, CHUNK), jnp.int32),
            pltpu.VMEM((IR, CHUNK), jnp.int32),
            pltpu.VMEM((IR, CHUNK), f32),
            pltpu.VMEM((GR, CHUNK, DB), f32),
            pltpu.VMEM_SHARED((n, DB), f32),
            pltpu.VMEM_SHARED((n, DB), f32),
            pltpu.SemaphoreType.DMA,
            pltpu.SemaphoreType.DMA,
            pltpu.SemaphoreType.DMA,
            pltpu.SemaphoreType.DMA,
        ],
        compiler_params=pltpu.CompilerParams(use_tc_tiling_on_sc=False),
    )
    seg = spmm(cat, pos_index, pos_weight, neg_index, neg_weight, zeros)

    g1 = g_org.reshape(1, DB)
    b1 = b_org.reshape(1, DB)
    g2 = jnp.concatenate([g_pos, g_neg]).reshape(1, 2 * DB)
    b2 = jnp.concatenate([b_pos, b_neg]).reshape(1, 2 * DB)
    ap = prelu_a.reshape(1)
    vm = pl.BlockSpec(memory_space=pltpu.VMEM)
    sm = pl.BlockSpec(memory_space=pltpu.SMEM)
    e1 = pl.pallas_call(
        _post_org_body,
        out_shape=jax.ShapeDtypeStruct((n, DB), f32),
        in_specs=[vm, vm, vm, vm, sm],
    )(cat, W_mlp[0:DB], g1, b1, ap)
    embs = pl.pallas_call(
        _post_body,
        out_shape=jax.ShapeDtypeStruct((n, DB), f32),
        in_specs=[vm, vm, vm, vm, vm, sm],
    )(seg, e1, W_mlp[DB:3 * DB], g2, b2, ap)
    return embs

# --- scband reference (transcript-rebuilt; emitter-appended) ---
"""Pipeline reference for scband-sbg-83382495085286 (READ-ONLY COPY).

The authoritative reference and input builder live on the scoring server;
editing this copy changes nothing except your own understanding.
"""

import jax, jax.numpy as jnp
import numpy as np

N = 10000
E = 320000
DA = 128
DB = 32


def _spmm(index, value, n, matrix):
    # torch_sparse.spmm: out[row] += value * matrix[col], index[0]=row, index[1]=col
    gathered = jnp.take(matrix, index[1], axis=0) * value[:, None]
    return jax.ops.segment_sum(gathered, index[0], num_segments=n)


def _bn(x, gamma, beta, eps=1e-5):
    # nn.BatchNorm1d in training mode: batch statistics, biased variance
    mean = jnp.mean(x, axis=0)
    var = jnp.var(x, axis=0)
    return gamma * (x - mean) / jnp.sqrt(var + eps) + beta


def _prelu(x, a):
    return jnp.where(x >= 0, x, a * x)


def setup_inputs(seed: int = 0) -> dict:
    key = jax.random.key(seed)
    ks = [jax.random.fold_in(key, i) for i in range(20)]
    inp = {}
    # node features (nn.Parameter x, requires_grad=False)
    inp["x"] = jax.random.normal(ks[0], (N, DA), dtype=jnp.float32)
    # signed edge sets
    inp["pos_index"] = jax.random.randint(ks[1], (2, E), 0, N, dtype=jnp.int32)
    inp["pos_weight"] = jax.random.uniform(ks[2], (E,), dtype=jnp.float32)
    inp["neg_index"] = jax.random.randint(ks[3], (2, E), 0, N, dtype=jnp.int32)
    inp["neg_weight"] = jax.random.uniform(ks[4], (E,), dtype=jnp.float32)
    inp["other_index"] = jax.random.randint(ks[5], (2, E), 0, N, dtype=jnp.int32)
    inp["other_weight"] = jax.random.uniform(ks[6], (E,), dtype=jnp.float32)
    # learned params: three bias-free linears DA->DB
    inp["W_org"] = jax.random.normal(ks[7], (DA, DB), dtype=jnp.float32) * 0.05
    inp["W_pos"] = jax.random.normal(ks[8], (DA, DB), dtype=jnp.float32) * 0.05
    inp["W_neg"] = jax.random.normal(ks[9], (DA, DB), dtype=jnp.float32) * 0.05
    # mlp_emb: bias-free linear 3*DB -> DB
    inp["W_mlp"] = jax.random.normal(ks[10], (3 * DB, DB), dtype=jnp.float32) * 0.05
    # batchnorm affine params (3 BN layers)
    inp["g_org"] = jnp.ones((DB,), dtype=jnp.float32)
    inp["b_org"] = jnp.zeros((DB,), dtype=jnp.float32)
    inp["g_pos"] = jnp.ones((DB,), dtype=jnp.float32)
    inp["b_pos"] = jnp.zeros((DB,), dtype=jnp.float32)
    inp["g_neg"] = jnp.ones((DB,), dtype=jnp.float32)
    inp["b_neg"] = jnp.zeros((DB,), dtype=jnp.float32)
    # PReLU param (torch default init 0.25), shared single-parameter
    inp["prelu_a"] = jnp.asarray(0.25, dtype=jnp.float32)
    return inp


def reference(x, pos_index, pos_weight, neg_index, neg_weight, other_index, other_weight,
              W_org, W_pos, W_neg, W_mlp, g_org, b_org, g_pos, b_pos, g_neg, b_neg, prelu_a):
    # spectral_transform='None' path; dropout p=0.0 -> identity; alpha1=alpha2=alpha3=1
    x_org = x @ W_org
    x_pos = x @ W_pos
    x_neg = x @ W_neg
    x_pos = _spmm(pos_index, pos_weight, x_pos.shape[0], x_pos)
    x_neg = _spmm(neg_index, neg_weight, x_neg.shape[0], x_neg)
    x_org = _bn(x_org, g_org, b_org)
    x_pos = _bn(x_pos, g_pos, b_pos)
    x_neg = _bn(x_neg, g_neg, b_neg)
    x_org = _prelu(x_org, prelu_a)
    x_pos = _prelu(x_pos, prelu_a)
    x_neg = _prelu(x_neg, prelu_a)
    embs = jnp.concatenate([x_org, x_pos, x_neg], axis=1) @ W_mlp
    # F.normalize(p=2, dim=1): x / max(||x||, eps)
    nrm = jnp.sqrt(jnp.sum(embs * embs, axis=1, keepdims=True))
    embs = embs / jnp.maximum(nrm, 1e-12)
    return embs

if __name__ == "__main__":
    import jax
    _d = setup_inputs()
    print(jax.jit(kernel)(*tuple(_d.values())))

</pallas_src>

<mosaic_0001>
#map = affine_map<(d0, d1) -> (0, 0)>
#map1 = affine_map<(d0, d1) -> (0)>
module attributes {stable_mosaic.version = 14 : i64} {
  func.func @_spmm_sc_body(%arg0: i32, %arg1: i32, %arg2: memref<10000x128xf32, #tpu.memory_space<hbm>>, %arg3: memref<2x327680xi32, #tpu.memory_space<hbm>>, %arg4: memref<327680xf32, #tpu.memory_space<hbm>>, %arg5: memref<2x327680xi32, #tpu.memory_space<hbm>>, %arg6: memref<327680xf32, #tpu.memory_space<hbm>>, %arg7: memref<10000x32xf32, #tpu.memory_space<hbm>>, %arg8: memref<10000x128xf32, #tpu.memory_space<hbm>>, %arg9: memref<4x1024xi32, #tpu.memory_space<vmem>>, %arg10: memref<4x1024xi32, #tpu.memory_space<vmem>>, %arg11: memref<4x1024xf32, #tpu.memory_space<vmem>>, %arg12: memref<2x1024x32xf32, #tpu.memory_space<vmem>>, %arg13: memref<10000x32xf32, #tpu.memory_space<vmem_shared>>, %arg14: memref<10000x32xf32, #tpu.memory_space<vmem_shared>>, %arg15: memref<!tpu.dma_semaphore, #tpu.memory_space<semaphore_mem>>, %arg16: memref<!tpu.dma_semaphore, #tpu.memory_space<semaphore_mem>>, %arg17: memref<!tpu.dma_semaphore, #tpu.memory_space<semaphore_mem>>, %arg18: memref<!tpu.dma_semaphore, #tpu.memory_space<semaphore_mem>>) attributes {dimension_semantics = [#tpu.dimension_semantics<core_parallel>, #tpu.dimension_semantics<subcore_parallel>], iteration_bounds = array<i64: 2, 16>, scalar_prefetch = 0 : i64, scratch_operands = 10 : i64, tpu.core_type = #tpu.core_type<sc_vector_subcore>, window_params = [{transform_indices = #map}, {transform_indices = #map}, {transform_indices = #map1}, {transform_indices = #map}, {transform_indices = #map1}, {transform_indices = #map}, {transform_indices = #map}]} {
    %mul3A = arith.constant 625 : i32
    %mul3A_0 = arith.muli %arg1, %mul3A : i32
    %mul3A_1 = arith.constant 625 : i32
    %mul3A_2 = arith.muli %arg1, %mul3A_1 : i32
    "tpu.region"() ({
      %run_scoped3A = tpu.sem_alloc : memref<!tpu.dma_semaphore, #tpu.memory_space<semaphore_mem>>
      %dma_start3A_108 = arith.constant 0 : i32
      %dma_start3A_109 = tpu.memref_slice %arg13[%mul3A_2, %dma_start3A_108] : memref<10000x32xf32, #tpu.memory_space<vmem_shared>> -> memref<625x32xf32, #tpu.memory_space<vmem_shared>>
      %dma_start3A_110 = arith.constant 0 : i32
      %dma_start3A_111 = tpu.memref_slice %arg7[%mul3A_0, %dma_start3A_110] : memref<10000x32xf32, #tpu.memory_space<hbm>> -> memref<625x32xf32, #tpu.memory_space<hbm>>
      tpu.enqueue_dma source(%dma_start3A_111 : memref<625x32xf32, #tpu.memory_space<hbm>>) target(%dma_start3A_109 : memref<625x32xf32, #tpu.memory_space<vmem_shared>>) target_semaphore(%run_scoped3A : memref<!tpu.dma_semaphore, #tpu.memory_space<semaphore_mem>>)
      %dma_wait3A_112 = arith.constant 0 : i32
      %dma_wait3A_113 = tpu.memref_slice %arg13[%mul3A_2, %dma_wait3A_112] : memref<10000x32xf32, #tpu.memory_space<vmem_shared>> -> memref<625x32xf32, #tpu.memory_space<vmem_shared>>
      %dma_wait3A_114 = arith.constant 0 : i32
      %dma_wait3A_115 = tpu.memref_slice %arg7[%mul3A_0, %dma_wait3A_114] : memref<10000x32xf32, #tpu.memory_space<hbm>> -> memref<625x32xf32, #tpu.memory_space<hbm>>
      tpu.wait_dma2 semaphore(%run_scoped3A : memref<!tpu.dma_semaphore, #tpu.memory_space<semaphore_mem>>) src(%dma_wait3A_115 : memref<625x32xf32, #tpu.memory_space<hbm>>) dst(%dma_wait3A_113 : memref<625x32xf32, #tpu.memory_space<vmem_shared>>)
      tpu.yield
    }) : () -> ()
    %mul3A_3 = arith.constant 625 : i32
    %mul3A_4 = arith.muli %arg1, %mul3A_3 : i32
    %add3A = arith.constant 1 : i32
    %add3A_5 = arith.addi %arg0, %add3A : i32
    %mul3A_6 = arith.constant 32 : i32
    %mul3A_7 = arith.muli %mul3A_6, %add3A_5 : i32
    %mul3A_8 = arith.constant 625 : i32
    %mul3A_9 = arith.muli %arg1, %mul3A_8 : i32
    "tpu.region"() ({
      %run_scoped3A = tpu.sem_alloc : memref<!tpu.dma_semaphore, #tpu.memory_space<semaphore_mem>>
      %dma_start3A_108 = arith.constant 0 : i32
      %dma_start3A_109 = tpu.memref_slice %arg14[%mul3A_9, %dma_start3A_108] : memref<10000x32xf32, #tpu.memory_space<vmem_shared>> -> memref<625x32xf32, #tpu.memory_space<vmem_shared>>
      %dma_start3A_110 = tpu.memref_slice %arg2[%mul3A_4, %mul3A_7] : memref<10000x128xf32, #tpu.memory_space<hbm>> -> memref<625x32xf32, #tpu.memory_space<hbm>>
      tpu.enqueue_dma source(%dma_start3A_110 : memref<625x32xf32, #tpu.memory_space<hbm>>) target(%dma_start3A_109 : memref<625x32xf32, #tpu.memory_space<vmem_shared>>) target_semaphore(%run_scoped3A : memref<!tpu.dma_semaphore, #tpu.memory_space<semaphore_mem>>)
      %dma_wait3A_111 = arith.constant 0 : i32
      %dma_wait3A_112 = tpu.memref_slice %arg14[%mul3A_9, %dma_wait3A_111] : memref<10000x32xf32, #tpu.memory_space<vmem_shared>> -> memref<625x32xf32, #tpu.memory_space<vmem_shared>>
      %dma_wait3A_113 = tpu.memref_slice %arg2[%mul3A_4, %mul3A_7] : memref<10000x128xf32, #tpu.memory_space<hbm>> -> memref<625x32xf32, #tpu.memory_space<hbm>>
      tpu.wait_dma2 semaphore(%run_scoped3A : memref<!tpu.dma_semaphore, #tpu.memory_space<semaphore_mem>>) src(%dma_wait3A_113 : memref<625x32xf32, #tpu.memory_space<hbm>>) dst(%dma_wait3A_112 : memref<625x32xf32, #tpu.memory_space<vmem_shared>>)
      tpu.yield
    }) : () -> ()
    %barrier3A = arith.constant 0 : index
    tpu.barrier barrier_id(%barrier3A)
    %mul3A_10 = arith.constant 20480 : i32
    %mul3A_11 = arith.muli %arg1, %mul3A_10 : i32
    %add3A_12 = arith.constant 0 : i32
    %add3A_13 = arith.addi %mul3A_11, %add3A_12 : i32
    %eq3A = arith.constant 0 : i32
    %eq3A_14 = arith.cmpi eq, %arg0, %eq3A : i32
    %convert_element_type3A = arith.extui %eq3A_14 : i1 to i32
    %cond3A = arith.constant 0 : i32
    %cond3A_15 = arith.cmpi ne, %convert_element_type3A, %cond3A : i32
    scf.if %cond3A_15 {
      %dma_start3A_108 = arith.constant 1 : i32
      %dma_start3A_109 = arith.constant 0 : i32
      %dma_start3A_110 = arith.constant 0 : i32
      %dma_start3A_111 = tpu.memref_slice %arg9[%dma_start3A_109, %dma_start3A_110] : memref<4x1024xi32, #tpu.memory_space<vmem>> -> memref<1x1024xi32, #tpu.memory_space<vmem>>
      %dma_start3A_112 = tpu.memref_squeeze %dma_start3A_111 : memref<1x1024xi32, #tpu.memory_space<vmem>> -> memref<1024xi32, #tpu.memory_space<vmem>>
      %dma_start3A_113 = tpu.memref_slice %arg3[%dma_start3A_108, %add3A_13] : memref<2x327680xi32, #tpu.memory_space<hbm>> -> memref<1x1024xi32, #tpu.memory_space<hbm>>
      %dma_start3A_114 = tpu.memref_squeeze %dma_start3A_113 : memref<1x1024xi32, #tpu.memory_space<hbm>> -> memref<1024xi32, #tpu.memory_space<hbm>>
      %dma_start3A_115 = arith.constant 0 : i32
      %dma_start3A_116 = tpu.memref_slice %arg9[%dma_start3A_109, %dma_start3A_115] : memref<4x1024xi32, #tpu.memory_space<vmem>> -> memref<1x1024xi32, #tpu.memory_space<vmem>>
      %dma_start3A_117 = tpu.memref_squeeze %dma_start3A_116 : memref<1x1024xi32, #tpu.memory_space<vmem>> -> memref<1024xi32, #tpu.memory_space<vmem>>
      %dma_start3A_118 = tpu.memref_slice %arg3[%dma_start3A_108, %add3A_13] : memref<2x327680xi32, #tpu.memory_space<hbm>> -> memref<1x1024xi32, #tpu.memory_space<hbm>>
      %dma_start3A_119 = tpu.memref_squeeze %dma_start3A_118 : memref<1x1024xi32, #tpu.memory_space<hbm>> -> memref<1024xi32, #tpu.memory_space<hbm>>
      tpu.enqueue_dma source(%dma_start3A_119 : memref<1024xi32, #tpu.memory_space<hbm>>) target(%dma_start3A_117 : memref<1024xi32, #tpu.memory_space<vmem>>) target_semaphore(%arg17 : memref<!tpu.dma_semaphore, #tpu.memory_space<semaphore_mem>>)
      %dma_start3A_120 = arith.constant 0 : i32
      %dma_start3A_121 = arith.constant 0 : i32
      %dma_start3A_122 = arith.constant 0 : i32
      %dma_start3A_123 = tpu.memref_slice %arg10[%dma_start3A_121, %dma_start3A_122] : memref<4x1024xi32, #tpu.memory_space<vmem>> -> memref<1x1024xi32, #tpu.memory_space<vmem>>
      %dma_start3A_124 = tpu.memref_squeeze %dma_start3A_123 : memref<1x1024xi32, #tpu.memory_space<vmem>> -> memref<1024xi32, #tpu.memory_space<vmem>>
      %dma_start3A_125 = tpu.memref_slice %arg3[%dma_start3A_120, %add3A_13] : memref<2x327680xi32, #tpu.memory_space<hbm>> -> memref<1x1024xi32, #tpu.memory_space<hbm>>
      %dma_start3A_126 = tpu.memref_squeeze %dma_start3A_125 : memref<1x1024xi32, #tpu.memory_space<hbm>> -> memref<1024xi32, #tpu.memory_space<hbm>>
      %dma_start3A_127 = arith.constant 0 : i32
      %dma_start3A_128 = tpu.memref_slice %arg10[%dma_start3A_121, %dma_start3A_127] : memref<4x1024xi32, #tpu.memory_space<vmem>> -> memref<1x1024xi32, #tpu.memory_space<vmem>>
      %dma_start3A_129 = tpu.memref_squeeze %dma_start3A_128 : memref<1x1024xi32, #tpu.memory_space<vmem>> -> memref<1024xi32, #tpu.memory_space<vmem>>
      %dma_start3A_130 = tpu.memref_slice %arg3[%dma_start3A_120, %add3A_13] : memref<2x327680xi32, #tpu.memory_space<hbm>> -> memref<1x1024xi32, #tpu.memory_space<hbm>>
      %dma_start3A_131 = tpu.memref_squeeze %dma_start3A_130 : memref<1x1024xi32, #tpu.memory_space<hbm>> -> memref<1024xi32, #tpu.memory_space<hbm>>
      tpu.enqueue_dma source(%dma_start3A_131 : memref<1024xi32, #tpu.memory_space<hbm>>) target(%dma_start3A_129 : memref<1024xi32, #tpu.memory_space<vmem>>) target_semaphore(%arg17 : memref<!tpu.dma_semaphore, #tpu.memory_space<semaphore_mem>>)
      %dma_start3A_132 = arith.constant 0 : i32
      %dma_start3A_133 = arith.constant 0 : i32
      %dma_start3A_134 = tpu.memref_slice %arg11[%dma_start3A_132, %dma_start3A_133] : memref<4x1024xf32, #tpu.memory_space<vmem>> -> memref<1x1024xf32, #tpu.memory_space<vmem>>
      %dma_start3A_135 = tpu.memref_squeeze %dma_start3A_134 : memref<1x1024xf32, #tpu.memory_space<vmem>> -> memref<1024xf32, #tpu.memory_space<vmem>>
      %dma_start3A_136 = tpu.memref_slice %arg4[%add3A_13] : memref<327680xf32, #tpu.memory_space<hbm>> -> memref<1024xf32, #tpu.memory_space<hbm>>
      %dma_start3A_137 = arith.constant 0 : i32
      %dma_start3A_138 = tpu.memref_slice %arg11[%dma_start3A_132, %dma_start3A_137] : memref<4x1024xf32, #tpu.memory_space<vmem>> -> memref<1x1024xf32, #tpu.memory_space<vmem>>
      %dma_start3A_139 = tpu.memref_squeeze %dma_start3A_138 : memref<1x1024xf32, #tpu.memory_space<vmem>> -> memref<1024xf32, #tpu.memory_space<vmem>>
      %dma_start3A_140 = tpu.memref_slice %arg4[%add3A_13] : memref<327680xf32, #tpu.memory_space<hbm>> -> memref<1024xf32, #tpu.memory_space<hbm>>
      tpu.enqueue_dma source(%dma_start3A_140 : memref<1024xf32, #tpu.memory_space<hbm>>) target(%dma_start3A_139 : memref<1024xf32, #tpu.memory_space<vmem>>) target_semaphore(%arg17 : memref<!tpu.dma_semaphore, #tpu.memory_space<semaphore_mem>>)
    } else {
    }
    %eq3A_16 = arith.constant 1 : i32
    %eq3A_17 = arith.cmpi eq, %arg0, %eq3A_16 : i32
    %convert_element_type3A_18 = arith.extui %eq3A_17 : i1 to i32
    %cond3A_19 = arith.constant 0 : i32
    %cond3A_20 = arith.cmpi ne, %convert_element_type3A_18, %cond3A_19 : i32
    scf.if %cond3A_20 {
      %dma_start3A_108 = arith.constant 1 : i32
      %dma_start3A_109 = arith.constant 0 : i32
      %dma_start3A_110 = arith.constant 0 : i32
      %dma_start3A_111 = tpu.memref_slice %arg9[%dma_start3A_109, %dma_start3A_110] : memref<4x1024xi32, #tpu.memory_space<vmem>> -> memref<1x1024xi32, #tpu.memory_space<vmem>>
      %dma_start3A_112 = tpu.memref_squeeze %dma_start3A_111 : memref<1x1024xi32, #tpu.memory_space<vmem>> -> memref<1024xi32, #tpu.memory_space<vmem>>
      %dma_start3A_113 = tpu.memref_slice %arg5[%dma_start3A_108, %add3A_13] : memref<2x327680xi32, #tpu.memory_space<hbm>> -> memref<1x1024xi32, #tpu.memory_space<hbm>>
      %dma_start3A_114 = tpu.memref_squeeze %dma_start3A_113 : memref<1x1024xi32, #tpu.memory_space<hbm>> -> memref<1024xi32, #tpu.memory_space<hbm>>
      %dma_start3A_115 = arith.constant 0 : i32
      %dma_start3A_116 = tpu.memref_slice %arg9[%dma_start3A_109, %dma_start3A_115] : memref<4x1024xi32, #tpu.memory_space<vmem>> -> memref<1x1024xi32, #tpu.memory_space<vmem>>
      %dma_start3A_117 = tpu.memref_squeeze %dma_start3A_116 : memref<1x1024xi32, #tpu.memory_space<vmem>> -> memref<1024xi32, #tpu.memory_space<vmem>>
      %dma_start3A_118 = tpu.memref_slice %arg5[%dma_start3A_108, %add3A_13] : memref<2x327680xi32, #tpu.memory_space<hbm>> -> memref<1x1024xi32, #tpu.memory_space<hbm>>
      %dma_start3A_119 = tpu.memref_squeeze %dma_start3A_118 : memref<1x1024xi32, #tpu.memory_space<hbm>> -> memref<1024xi32, #tpu.memory_space<hbm>>
      tpu.enqueue_dma source(%dma_start3A_119 : memref<1024xi32, #tpu.memory_space<hbm>>) target(%dma_start3A_117 : memref<1024xi32, #tpu.memory_space<vmem>>) target_semaphore(%arg17 : memref<!tpu.dma_semaphore, #tpu.memory_space<semaphore_mem>>)
      %dma_start3A_120 = arith.constant 0 : i32
      %dma_start3A_121 = arith.constant 0 : i32
      %dma_start3A_122 = arith.constant 0 : i32
      %dma_start3A_123 = tpu.memref_slice %arg10[%dma_start3A_121, %dma_start3A_122] : memref<4x1024xi32, #tpu.memory_space<vmem>> -> memref<1x1024xi32, #tpu.memory_space<vmem>>
      %dma_start3A_124 = tpu.memref_squeeze %dma_start3A_123 : memref<1x1024xi32, #tpu.memory_space<vmem>> -> memref<1024xi32, #tpu.memory_space<vmem>>
      %dma_start3A_125 = tpu.memref_slice %arg5[%dma_start3A_120, %add3A_13] : memref<2x327680xi32, #tpu.memory_space<hbm>> -> memref<1x1024xi32, #tpu.memory_space<hbm>>
      %dma_start3A_126 = tpu.memref_squeeze %dma_start3A_125 : memref<1x1024xi32, #tpu.memory_space<hbm>> -> memref<1024xi32, #tpu.memory_space<hbm>>
      %dma_start3A_127 = arith.constant 0 : i32
      %dma_start3A_128 = tpu.memref_slice %arg10[%dma_start3A_121, %dma_start3A_127] : memref<4x1024xi32, #tpu.memory_space<vmem>> -> memref<1x1024xi32, #tpu.memory_space<vmem>>
      %dma_start3A_129 = tpu.memref_squeeze %dma_start3A_128 : memref<1x1024xi32, #tpu.memory_space<vmem>> -> memref<1024xi32, #tpu.memory_space<vmem>>
      %dma_start3A_130 = tpu.memref_slice %arg5[%dma_start3A_120, %add3A_13] : memref<2x327680xi32, #tpu.memory_space<hbm>> -> memref<1x1024xi32, #tpu.memory_space<hbm>>
      %dma_start3A_131 = tpu.memref_squeeze %dma_start3A_130 : memref<1x1024xi32, #tpu.memory_space<hbm>> -> memref<1024xi32, #tpu.memory_space<hbm>>
      tpu.enqueue_dma source(%dma_start3A_131 : memref<1024xi32, #tpu.memory_space<hbm>>) target(%dma_start3A_129 : memref<1024xi32, #tpu.memory_space<vmem>>) target_semaphore(%arg17 : memref<!tpu.dma_semaphore, #tpu.memory_space<semaphore_mem>>)
      %dma_start3A_132 = arith.constant 0 : i32
      %dma_start3A_133 = arith.constant 0 : i32
      %dma_start3A_134 = tpu.memref_slice %arg11[%dma_start3A_132, %dma_start3A_133] : memref<4x1024xf32, #tpu.memory_space<vmem>> -> memref<1x1024xf32, #tpu.memory_space<vmem>>
      %dma_start3A_135 = tpu.memref_squeeze %dma_start3A_134 : memref<1x1024xf32, #tpu.memory_space<vmem>> -> memref<1024xf32, #tpu.memory_space<vmem>>
      %dma_start3A_136 = tpu.memref_slice %arg6[%add3A_13] : memref<327680xf32, #tpu.memory_space<hbm>> -> memref<1024xf32, #tpu.memory_space<hbm>>
      %dma_start3A_137 = arith.constant 0 : i32
      %dma_start3A_138 = tpu.memref_slice %arg11[%dma_start3A_132, %dma_start3A_137] : memref<4x1024xf32, #tpu.memory_space<vmem>> -> memref<1x1024xf32, #tpu.memory_space<vmem>>
      %dma_start3A_139 = tpu.memref_squeeze %dma_start3A_138 : memref<1x1024xf32, #tpu.memory_space<vmem>> -> memref<1024xf32, #tpu.memory_space<vmem>>
      %dma_start3A_140 = tpu.memref_slice %arg6[%add3A_13] : memref<327680xf32, #tpu.memory_space<hbm>> -> memref<1024xf32, #tpu.memory_space<hbm>>
      tpu.enqueue_dma source(%dma_start3A_140 : memref<1024xf32, #tpu.memory_space<hbm>>) target(%dma_start3A_139 : memref<1024xf32, #tpu.memory_space<vmem>>) target_semaphore(%arg17 : memref<!tpu.dma_semaphore, #tpu.memory_space<semaphore_mem>>)
    } else {
    }
    %dma_wait3A = arith.constant 1 : i32
    %dma_wait3A_21 = arith.constant 0 : i32
    %dma_wait3A_22 = arith.constant 0 : i32
    %dma_wait3A_23 = tpu.memref_slice %arg9[%dma_wait3A_21, %dma_wait3A_22] : memref<4x1024xi32, #tpu.memory_space<vmem>> -> memref<1x1024xi32, #tpu.memory_space<vmem>>
    %dma_wait3A_24 = tpu.memref_squeeze %dma_wait3A_23 : memref<1x1024xi32, #tpu.memory_space<vmem>> -> memref<1024xi32, #tpu.memory_space<vmem>>
    %dma_wait3A_25 = arith.constant 0 : i32
    %dma_wait3A_26 = tpu.memref_slice %arg3[%dma_wait3A, %dma_wait3A_25] : memref<2x327680xi32, #tpu.memory_space<hbm>> -> memref<1x1024xi32, #tpu.memory_space<hbm>>
    %dma_wait3A_27 = tpu.memref_squeeze %dma_wait3A_26 : memref<1x1024xi32, #tpu.memory_space<hbm>> -> memref<1024xi32, #tpu.memory_space<hbm>>
    %dma_wait3A_28 = arith.constant 0 : i32
    %dma_wait3A_29 = tpu.memref_slice %arg9[%dma_wait3A_21, %dma_wait3A_28] : memref<4x1024xi32, #tpu.memory_space<vmem>> -> memref<1x1024xi32, #tpu.memory_space<vmem>>
    %dma_wait3A_30 = tpu.memref_squeeze %dma_wait3A_29 : memref<1x1024xi32, #tpu.memory_space<vmem>> -> memref<1024xi32, #tpu.memory_space<vmem>>
    %dma_wait3A_31 = arith.constant 0 : i32
    %dma_wait3A_32 = tpu.memref_slice %arg3[%dma_wait3A, %dma_wait3A_31] : memref<2x327680xi32, #tpu.memory_space<hbm>> -> memref<1x1024xi32, #tpu.memory_space<hbm>>
    %dma_wait3A_33 = tpu.memref_squeeze %dma_wait3A_32 : memref<1x1024xi32, #tpu.memory_space<hbm>> -> memref<1024xi32, #tpu.memory_space<hbm>>
    tpu.wait_dma2 semaphore(%arg17 : memref<!tpu.dma_semaphore, #tpu.memory_space<semaphore_mem>>) src(%dma_wait3A_33 : memref<1024xi32, #tpu.memory_space<hbm>>) dst(%dma_wait3A_30 : memref<1024xi32, #tpu.memory_space<vmem>>)
    %dma_wait3A_34 = arith.constant 0 : i32
    %dma_wait3A_35 = arith.constant 0 : i32
    %dma_wait3A_36 = arith.constant 0 : i32
    %dma_wait3A_37 = tpu.memref_slice %arg10[%dma_wait3A_35, %dma_wait3A_36] : memref<4x1024xi32, #tpu.memory_space<vmem>> -> memref<1x1024xi32, #tpu.memory_space<vmem>>
    %dma_wait3A_38 = tpu.memref_squeeze %dma_wait3A_37 : memref<1x1024xi32, #tpu.memory_space<vmem>> -> memref<1024xi32, #tpu.memory_space<vmem>>
    %dma_wait3A_39 = arith.constant 0 : i32
    %dma_wait3A_40 = tpu.memref_slice %arg3[%dma_wait3A_34, %dma_wait3A_39] : memref<2x327680xi32, #tpu.memory_space<hbm>> -> memref<1x1024xi32, #tpu.memory_space<hbm>>
    %dma_wait3A_41 = tpu.memref_squeeze %dma_wait3A_40 : memref<1x1024xi32, #tpu.memory_space<hbm>> -> memref<1024xi32, #tpu.memory_space<hbm>>
    %dma_wait3A_42 = arith.constant 0 : i32
    %dma_wait3A_43 = tpu.memref_slice %arg10[%dma_wait3A_35, %dma_wait3A_42] : memref<4x1024xi32, #tpu.memory_space<vmem>> -> memref<1x1024xi32, #tpu.memory_space<vmem>>
    %dma_wait3A_44 = tpu.memref_squeeze %dma_wait3A_43 : memref<1x1024xi32, #tpu.memory_space<vmem>> -> memref<1024xi32, #tpu.memory_space<vmem>>
    %dma_wait3A_45 = arith.constant 0 : i32
    %dma_wait3A_46 = tpu.memref_slice %arg3[%dma_wait3A_34, %dma_wait3A_45] : memref<2x327680xi32, #tpu.memory_space<hbm>> -> memref<1x1024xi32, #tpu.memory_space<hbm>>
    %dma_wait3A_47 = tpu.memref_squeeze %dma_wait3A_46 : memref<1x1024xi32, #tpu.memory_space<hbm>> -> memref<1024xi32, #tpu.memory_space<hbm>>
    tpu.wait_dma2 semaphore(%arg17 : memref<!tpu.dma_semaphore, #tpu.memory_space<semaphore_mem>>) src(%dma_wait3A_47 : memref<1024xi32, #tpu.memory_space<hbm>>) dst(%dma_wait3A_44 : memref<1024xi32, #tpu.memory_space<vmem>>)
    %dma_wait3A_48 = arith.constant 0 : i32
    %dma_wait3A_49 = arith.constant 0 : i32
    %dma_wait3A_50 = tpu.memref_slice %arg11[%dma_wait3A_48, %dma_wait3A_49] : memref<4x1024xf32, #tpu.memory_space<vmem>> -> memref<1x1024xf32, #tpu.memory_space<vmem>>
    %dma_wait3A_51 = tpu.memref_squeeze %dma_wait3A_50 : memref<1x1024xf32, #tpu.memory_space<vmem>> -> memref<1024xf32, #tpu.memory_space<vmem>>
    %dma_wait3A_52 = arith.constant 0 : i32
    %dma_wait3A_53 = tpu.memref_slice %arg4[%dma_wait3A_52] : memref<327680xf32, #tpu.memory_space<hbm>> -> memref<1024xf32, #tpu.memory_space<hbm>>
    %dma_wait3A_54 = arith.constant 0 : i32
    %dma_wait3A_55 = tpu.memref_slice %arg11[%dma_wait3A_48, %dma_wait3A_54] : memref<4x1024xf32, #tpu.memory_space<vmem>> -> memref<1x1024xf32, #tpu.memory_space<vmem>>
    %dma_wait3A_56 = tpu.memref_squeeze %dma_wait3A_55 : memref<1x1024xf32, #tpu.memory_space<vmem>> -> memref<1024xf32, #tpu.memory_space<vmem>>
    %dma_wait3A_57 = arith.constant 0 : i32
    %dma_wait3A_58 = tpu.memref_slice %arg4[%dma_wait3A_57] : memref<327680xf32, #tpu.memory_space<hbm>> -> memref<1024xf32, #tpu.memory_space<hbm>>
    tpu.wait_dma2 semaphore(%arg17 : memref<!tpu.dma_semaphore, #tpu.memory_space<semaphore_mem>>) src(%dma_wait3A_58 : memref<1024xf32, #tpu.memory_space<hbm>>) dst(%dma_wait3A_56 : memref<1024xf32, #tpu.memory_space<vmem>>)
    %mul3A_59 = arith.constant 20480 : i32
    %mul3A_60 = arith.muli %arg1, %mul3A_59 : i32
    %add3A_61 = arith.constant 1024 : i32
    %add3A_62 = arith.addi %mul3A_60, %add3A_61 : i32
    %eq3A_63 = arith.constant 0 : i32
    %eq3A_64 = arith.cmpi eq, %arg0, %eq3A_63 : i32
    %convert_element_type3A_65 = arith.extui %eq3A_64 : i1 to i32
    %cond3A_66 = arith.constant 0 : i32
    %cond3A_67 = arith.cmpi ne, %convert_element_type3A_65, %cond3A_66 : i32
    scf.if %cond3A_67 {
      %dma_start3A_108 = arith.constant 1 : i32
      %dma_start3A_109 = arith.constant 1 : i32
      %dma_start3A_110 = arith.constant 0 : i32
      %dma_start3A_111 = tpu.memref_slice %arg9[%dma_start3A_109, %dma_start3A_110] : memref<4x1024xi32, #tpu.memory_space<vmem>> -> memref<1x1024xi32, #tpu.memory_space<vmem>>
      %dma_start3A_112 = tpu.memref_squeeze %dma_start3A_111 : memref<1x1024xi32, #tpu.memory_space<vmem>> -> memref<1024xi32, #tpu.memory_space<vmem>>
      %dma_start3A_113 = tpu.memref_slice %arg3[%dma_start3A_108, %add3A_62] : memref<2x327680xi32, #tpu.memory_space<hbm>> -> memref<1x1024xi32, #tpu.memory_space<hbm>>
      %dma_start3A_114 = tpu.memref_squeeze %dma_start3A_113 : memref<1x1024xi32, #tpu.memory_space<hbm>> -> memref<1024xi32, #tpu.memory_space<hbm>>
      %dma_start3A_115 = arith.constant 0 : i32
      %dma_start3A_116 = tpu.memref_slice %arg9[%dma_start3A_109, %dma_start3A_115] : memref<4x1024xi32, #tpu.memory_space<vmem>> -> memref<1x1024xi32, #tpu.memory_space<vmem>>
      %dma_start3A_117 = tpu.memref_squeeze %dma_start3A_116 : memref<1x1024xi32, #tpu.memory_space<vmem>> -> memref<1024xi32, #tpu.memory_space<vmem>>
      %dma_start3A_118 = tpu.memref_slice %arg3[%dma_start3A_108, %add3A_62] : memref<2x327680xi32, #tpu.memory_space<hbm>> -> memref<1x1024xi32, #tpu.memory_space<hbm>>
      %dma_start3A_119 = tpu.memref_squeeze %dma_start3A_118 : memref<1x1024xi32, #tpu.memory_space<hbm>> -> memref<1024xi32, #tpu.memory_space<hbm>>
      tpu.enqueue_dma source(%dma_start3A_119 : memref<1024xi32, #tpu.memory_space<hbm>>) target(%dma_start3A_117 : memref<1024xi32, #tpu.memory_space<vmem>>) target_semaphore(%arg18 : memref<!tpu.dma_semaphore, #tpu.memory_space<semaphore_mem>>)
      %dma_start3A_120 = arith.constant 0 : i32
      %dma_start3A_121 = arith.constant 1 : i32
      %dma_start3A_122 = arith.constant 0 : i32
      %dma_start3A_123 = tpu.memref_slice %arg10[%dma_start3A_121, %dma_start3A_122] : memref<4x1024xi32, #tpu.memory_space<vmem>> -> memref<1x1024xi32, #tpu.memory_space<vmem>>
      %dma_start3A_124 = tpu.memref_squeeze %dma_start3A_123 : memref<1x1024xi32, #tpu.memory_space<vmem>> -> memref<1024xi32, #tpu.memory_space<vmem>>
      %dma_start3A_125 = tpu.memref_slice %arg3[%dma_start3A_120, %add3A_62] : memref<2x327680xi32, #tpu.memory_space<hbm>> -> memref<1x1024xi32, #tpu.memory_space<hbm>>
      %dma_start3A_126 = tpu.memref_squeeze %dma_start3A_125 : memref<1x1024xi32, #tpu.memory_space<hbm>> -> memref<1024xi32, #tpu.memory_space<hbm>>
      %dma_start3A_127 = arith.constant 0 : i32
      %dma_start3A_128 = tpu.memref_slice %arg10[%dma_start3A_121, %dma_start3A_127] : memref<4x1024xi32, #tpu.memory_space<vmem>> -> memref<1x1024xi32, #tpu.memory_space<vmem>>
      %dma_start3A_129 = tpu.memref_squeeze %dma_start3A_128 : memref<1x1024xi32, #tpu.memory_space<vmem>> -> memref<1024xi32, #tpu.memory_space<vmem>>
      %dma_start3A_130 = tpu.memref_slice %arg3[%dma_start3A_120, %add3A_62] : memref<2x327680xi32, #tpu.memory_space<hbm>> -> memref<1x1024xi32, #tpu.memory_space<hbm>>
      %dma_start3A_131 = tpu.memref_squeeze %dma_start3A_130 : memref<1x1024xi32, #tpu.memory_space<hbm>> -> memref<1024xi32, #tpu.memory_space<hbm>>
      tpu.enqueue_dma source(%dma_start3A_131 : memref<1024xi32, #tpu.memory_space<hbm>>) target(%dma_start3A_129 : memref<1024xi32, #tpu.memory_space<vmem>>) target_semaphore(%arg18 : memref<!tpu.dma_semaphore, #tpu.memory_space<semaphore_mem>>)
      %dma_start3A_132 = arith.constant 1 : i32
      %dma_start3A_133 = arith.constant 0 : i32
      %dma_start3A_134 = tpu.memref_slice %arg11[%dma_start3A_132, %dma_start3A_133] : memref<4x1024xf32, #tpu.memory_space<vmem>> -> memref<1x1024xf32, #tpu.memory_space<vmem>>
      %dma_start3A_135 = tpu.memref_squeeze %dma_start3A_134 : memref<1x1024xf32, #tpu.memory_space<vmem>> -> memref<1024xf32, #tpu.memory_space<vmem>>
      %dma_start3A_136 = tpu.memref_slice %arg4[%add3A_62] : memref<327680xf32, #tpu.memory_space<hbm>> -> memref<1024xf32, #tpu.memory_space<hbm>>
      %dma_start3A_137 = arith.constant 0 : i32
      %dma_start3A_138 = tpu.memref_slice %arg11[%dma_start3A_132, %dma_start3A_137] : memref<4x1024xf32, #tpu.memory_space<vmem>> -> memref<1x1024xf32, #tpu.memory_space<vmem>>
      %dma_start3A_139 = tpu.memref_squeeze %dma_start3A_138 : memref<1x1024xf32, #tpu.memory_space<vmem>> -> memref<1024xf32, #tpu.memory_space<vmem>>
      %dma_start3A_140 = tpu.memref_slice %arg4[%add3A_62] : memref<327680xf32, #tpu.memory_space<hbm>> -> memref<1024xf32, #tpu.memory_space<hbm>>
      tpu.enqueue_dma source(%dma_start3A_140 : memref<1024xf32, #tpu.memory_space<hbm>>) target(%dma_start3A_139 : memref<1024xf32, #tpu.memory_space<vmem>>) target_semaphore(%arg18 : memref<!tpu.dma_semaphore, #tpu.memory_space<semaphore_mem>>)
    } else {
    }
    %eq3A_68 = arith.constant 1 : i32
    %eq3A_69 = arith.cmpi eq, %arg0, %eq3A_68 : i32
    %convert_element_type3A_70 = arith.extui %eq3A_69 : i1 to i32
    %cond3A_71 = arith.constant 0 : i32
    %cond3A_72 = arith.cmpi ne, %convert_element_type3A_70, %cond3A_71 : i32
    scf.if %cond3A_72 {
      %dma_start3A_108 = arith.constant 1 : i32
      %dma_start3A_109 = arith.constant 1 : i32
      %dma_start3A_110 = arith.constant 0 : i32
      %dma_start3A_111 = tpu.memref_slice %arg9[%dma_start3A_109, %dma_start3A_110] : memref<4x1024xi32, #tpu.memory_space<vmem>> -> memref<1x1024xi32, #tpu.memory_space<vmem>>
      %dma_start3A_112 = tpu.memref_squeeze %dma_start3A_111 : memref<1x1024xi32, #tpu.memory_space<vmem>> -> memref<1024xi32, #tpu.memory_space<vmem>>
      %dma_start3A_113 = tpu.memref_slice %arg5[%dma_start3A_108, %add3A_62] : memref<2x327680xi32, #tpu.memory_space<hbm>> -> memref<1x1024xi32, #tpu.memory_space<hbm>>
      %dma_start3A_114 = tpu.memref_squeeze %dma_start3A_113 : memref<1x1024xi32, #tpu.memory_space<hbm>> -> memref<1024xi32, #tpu.memory_space<hbm>>
      %dma_start3A_115 = arith.constant 0 : i32
      %dma_start3A_116 = tpu.memref_slice %arg9[%dma_start3A_109, %dma_start3A_115] : memref<4x1024xi32, #tpu.memory_space<vmem>> -> memref<1x1024xi32, #tpu.memory_space<vmem>>
      %dma_start3A_117 = tpu.memref_squeeze %dma_start3A_116 : memref<1x1024xi32, #tpu.memory_space<vmem>> -> memref<1024xi32, #tpu.memory_space<vmem>>
      %dma_start3A_118 = tpu.memref_slice %arg5[%dma_start3A_108, %add3A_62] : memref<2x327680xi32, #tpu.memory_space<hbm>> -> memref<1x1024xi32, #tpu.memory_space<hbm>>
      %dma_start3A_119 = tpu.memref_squeeze %dma_start3A_118 : memref<1x1024xi32, #tpu.memory_space<hbm>> -> memref<1024xi32, #tpu.memory_space<hbm>>
      tpu.enqueue_dma source(%dma_start3A_119 : memref<1024xi32, #tpu.memory_space<hbm>>) target(%dma_start3A_117 : memref<1024xi32, #tpu.memory_space<vmem>>) target_semaphore(%arg18 : memref<!tpu.dma_semaphore, #tpu.memory_space<semaphore_mem>>)
      %dma_start3A_120 = arith.constant 0 : i32
      %dma_start3A_121 = arith.constant 1 : i32
      %dma_start3A_122 = arith.constant 0 : i32
      %dma_start3A_123 = tpu.memref_slice %arg10[%dma_start3A_121, %dma_start3A_122] : memref<4x1024xi32, #tpu.memory_space<vmem>> -> memref<1x1024xi32, #tpu.memory_space<vmem>>
      %dma_start3A_124 = tpu.memref_squeeze %dma_start3A_123 : memref<1x1024xi32, #tpu.memory_space<vmem>> -> memref<1024xi32, #tpu.memory_space<vmem>>
      %dma_start3A_125 = tpu.memref_slice %arg5[%dma_start3A_120, %add3A_62] : memref<2x327680xi32, #tpu.memory_space<hbm>> -> memref<1x1024xi32, #tpu.memory_space<hbm>>
      %dma_start3A_126 = tpu.memref_squeeze %dma_start3A_125 : memref<1x1024xi32, #tpu.memory_space<hbm>> -> memref<1024xi32, #tpu.memory_space<hbm>>
      %dma_start3A_127 = arith.constant 0 : i32
      %dma_start3A_128 = tpu.memref_slice %arg10[%dma_start3A_121, %dma_start3A_127] : memref<4x1024xi32, #tpu.memory_space<vmem>> -> memref<1x1024xi32, #tpu.memory_space<vmem>>
      %dma_start3A_129 = tpu.memref_squeeze %dma_start3A_128 : memref<1x1024xi32, #tpu.memory_space<vmem>> -> memref<1024xi32, #tpu.memory_space<vmem>>
      %dma_start3A_130 = tpu.memref_slice %arg5[%dma_start3A_120, %add3A_62] : memref<2x327680xi32, #tpu.memory_space<hbm>> -> memref<1x1024xi32, #tpu.memory_space<hbm>>
      %dma_start3A_131 = tpu.memref_squeeze %dma_start3A_130 : memref<1x1024xi32, #tpu.memory_space<hbm>> -> memref<1024xi32, #tpu.memory_space<hbm>>
      tpu.enqueue_dma source(%dma_start3A_131 : memref<1024xi32, #tpu.memory_space<hbm>>) target(%dma_start3A_129 : memref<1024xi32, #tpu.memory_space<vmem>>) target_semaphore(%arg18 : memref<!tpu.dma_semaphore, #tpu.memory_space<semaphore_mem>>)
      %dma_start3A_132 = arith.constant 1 : i32
      %dma_start3A_133 = arith.constant 0 : i32
      %dma_start3A_134 = tpu.memref_slice %arg11[%dma_start3A_132, %dma_start3A_133] : memref<4x1024xf32, #tpu.memory_space<vmem>> -> memref<1x1024xf32, #tpu.memory_space<vmem>>
      %dma_start3A_135 = tpu.memref_squeeze %dma_start3A_134 : memref<1x1024xf32, #tpu.memory_space<vmem>> -> memref<1024xf32, #tpu.memory_space<vmem>>
      %dma_start3A_136 = tpu.memref_slice %arg6[%add3A_62] : memref<327680xf32, #tpu.memory_space<hbm>> -> memref<1024xf32, #tpu.memory_space<hbm>>
      %dma_start3A_137 = arith.constant 0 : i32
      %dma_start3A_138 = tpu.memref_slice %arg11[%dma_start3A_132, %dma_start3A_137] : memref<4x1024xf32, #tpu.memory_space<vmem>> -> memref<1x1024xf32, #tpu.memory_space<vmem>>
      %dma_start3A_139 = tpu.memref_squeeze %dma_start3A_138 : memref<1x1024xf32, #tpu.memory_space<vmem>> -> memref<1024xf32, #tpu.memory_space<vmem>>
      %dma_start3A_140 = tpu.memref_slice %arg6[%add3A_62] : memref<327680xf32, #tpu.memory_space<hbm>> -> memref<1024xf32, #tpu.memory_space<hbm>>
      tpu.enqueue_dma source(%dma_start3A_140 : memref<1024xf32, #tpu.memory_space<hbm>>) target(%dma_start3A_139 : memref<1024xf32, #tpu.memory_space<vmem>>) target_semaphore(%arg18 : memref<!tpu.dma_semaphore, #tpu.memory_space<semaphore_mem>>)
    } else {
    }
    %dma_start3A = arith.constant 0 : i32
    %dma_start3A_73 = arith.constant 0 : i32
    %dma_start3A_74 = arith.constant 0 : i32
    %dma_start3A_75 = arith.constant 0 : i32
    %dma_start3A_76 = tpu.memref_slice %arg12[%dma_start3A_73, %dma_start3A_74, %dma_start3A_75] : memref<2x1024x32xf32, #tpu.memory_space<vmem>> -> memref<1x1024x32xf32, #tpu.memory_space<vmem>>
    %dma_start3A_77 = tpu.memref_squeeze %dma_start3A_76 : memref<1x1024x32xf32, #tpu.memory_space<vmem>> -> memref<1024x32xf32, #tpu.memory_space<vmem>>
    %dma_start3A_78 = arith.constant 0 : i32
    %dma_start3A_79 = tpu.memref_slice %arg9[%dma_start3A, %dma_start3A_78] : memref<4x1024xi32, #tpu.memory_space<vmem>> -> memref<1x1024xi32, #tpu.memory_space<vmem>>
    %dma_start3A_80 = tpu.memref_squeeze %dma_start3A_79 : memref<1x1024xi32, #tpu.memory_space<vmem>> -> memref<1024xi32, #tpu.memory_space<vmem>>
    %dma_start3A_81 = arith.constant 0 : i32
    %dma_start3A_82 = arith.constant 0 : i32
    %dma_start3A_83 = tpu.memref_slice %arg14[%dma_start3A_81, %dma_start3A_82] : memref<10000x32xf32, #tpu.memory_space<vmem_shared>> -> memref<10000x32xf32, #tpu.memory_space<vmem_shared>>
    tpu.enqueue_indirect_dma source(%dma_start3A_83 : memref<10000x32xf32, #tpu.memory_space<vmem_shared>>) target(%dma_start3A_77 : memref<1024x32xf32, #tpu.memory_space<vmem>>) offsets(%dma_start3A_80 : memref<1024xi32, #tpu.memory_space<vmem>>) semaphore(%arg15 : memref<!tpu.dma_semaphore, #tpu.memory_space<semaphore_mem>>)
    %scan3A = arith.constant 0 : i32
    %scan3A_84 = arith.constant 0 : i32
    %scan3A_85 = arith.constant 20 : i32
    %scan3A_86 = arith.addi %scan3A_84, %scan3A_85 : i32
    %scan3A_87 = arith.constant 1 : i32
    scf.for %scan3A_108 = %scan3A_84 to %scan3A_86 step %scan3A_87  : i32 {
      %lt3A = arith.constant 18 : i32
      %lt3A_109 = arith.cmpi slt, %scan3A_108, %lt3A : i32
      %convert_element_type3A_110 = arith.extui %lt3A_109 : i1 to i32
      %cond3A_111 = arith.constant 0 : i32
      %cond3A_112 = arith.cmpi ne, %convert_element_type3A_110, %cond3A_111 : i32
      scf.if %cond3A_112 {
        %add3A_239 = arith.constant 2 : i32
        %add3A_240 = arith.addi %scan3A_108, %add3A_239 : i32
        %jit3A_241 = arith.constant 2 : i32
        %eq3A_242 = arith.constant 0 : i32
        %eq3A_243 = arith.cmpi eq, %jit3A_241, %eq3A_242 : i32
        %jit3A_244 = arith.constant 1 : i32
        %select_n3A_245 = arith.select %eq3A_243, %jit3A_244, %jit3A_241 : i32
        %rem3A_246 = arith.remsi %add3A_240, %select_n3A_245 : i32
        %ne3A_247 = arith.constant 0 : i32
        %ne3A_248 = arith.cmpi ne, %rem3A_246, %ne3A_247 : i32
        %lt3A_249 = arith.constant 0 : i32
        %lt3A_250 = arith.cmpi slt, %rem3A_246, %lt3A_249 : i32
        %lt3A_251 = arith.constant 0 : i32
        %lt3A_252 = arith.cmpi slt, %select_n3A_245, %lt3A_251 : i32
        %ne3A_253 = arith.xori %lt3A_250, %lt3A_252 : i1
        %and3A_254 = arith.andi %ne3A_253, %ne3A_248 : i1
        %add3A_255 = arith.addi %rem3A_246, %select_n3A_245 : i32
        %select_n3A_256 = arith.select %and3A_254, %add3A_255, %rem3A_246 : i32
        %eq3A_257 = arith.constant 0 : i32
        %eq3A_258 = arith.cmpi eq, %select_n3A_256, %eq3A_257 : i32
        %convert_element_type3A_259 = arith.extui %eq3A_258 : i1 to i32
        %cond3A_260 = arith.constant 0 : i32
        %cond3A_261 = arith.cmpi ne, %convert_element_type3A_259, %cond3A_260 : i32
        scf.if %cond3A_261 {
          %jit3A_283 = arith.constant 4 : i32
          %eq3A_284 = arith.constant 0 : i32
          %eq3A_285 = arith.cmpi eq, %jit3A_283, %eq3A_284 : i32
          %jit3A_286 = arith.constant 1 : i32
          %select_n3A_287 = arith.select %eq3A_285, %jit3A_286, %jit3A_283 : i32
          %rem3A_288 = arith.remsi %add3A_240, %select_n3A_287 : i32
          %ne3A_289 = arith.constant 0 : i32
          %ne3A_290 = arith.cmpi ne, %rem3A_288, %ne3A_289 : i32
          %lt3A_291 = arith.constant 0 : i32
          %lt3A_292 = arith.cmpi slt, %rem3A_288, %lt3A_291 : i32
          %lt3A_293 = arith.constant 0 : i32
          %lt3A_294 = arith.cmpi slt, %select_n3A_287, %lt3A_293 : i32
          %ne3A_295 = arith.xori %lt3A_292, %lt3A_294 : i1
          %and3A_296 = arith.andi %ne3A_295, %ne3A_290 : i1
          %add3A_297 = arith.addi %rem3A_288, %select_n3A_287 : i32
          %select_n3A_298 = arith.select %and3A_296, %add3A_297, %rem3A_288 : i32
          %mul3A_299 = arith.constant 20480 : i32
          %mul3A_300 = arith.muli %arg1, %mul3A_299 : i32
          %mul3A_301 = arith.constant 1024 : i32
          %mul3A_302 = arith.muli %add3A_240, %mul3A_301 : i32
          %add3A_303 = arith.addi %mul3A_300, %mul3A_302 : i32
          %eq3A_304 = arith.constant 0 : i32
          %eq3A_305 = arith.cmpi eq, %arg0, %eq3A_304 : i32
          %convert_element_type3A_306 = arith.extui %eq3A_305 : i1 to i32
          %cond3A_307 = arith.constant 0 : i32
          %cond3A_308 = arith.cmpi ne, %convert_element_type3A_306, %cond3A_307 : i32
          scf.if %cond3A_308 {
            %dma_start3A_314 = arith.constant 1 : i32
            %dma_start3A_315 = arith.constant 0 : i32
            %dma_start3A_316 = tpu.memref_slice %arg9[%select_n3A_298, %dma_start3A_315] : memref<4x1024xi32, #tpu.memory_space<vmem>> -> memref<1x1024xi32, #tpu.memory_space<vmem>>
            %dma_start3A_317 = tpu.memref_squeeze %dma_start3A_316 : memref<1x1024xi32, #tpu.memory_space<vmem>> -> memref<1024xi32, #tpu.memory_space<vmem>>
            %dma_start3A_318 = tpu.memref_slice %arg3[%dma_start3A_314, %add3A_303] : memref<2x327680xi32, #tpu.memory_space<hbm>> -> memref<1x1024xi32, #tpu.memory_space<hbm>>
            %dma_start3A_319 = tpu.memref_squeeze %dma_start3A_318 : memref<1x1024xi32, #tpu.memory_space<hbm>> -> memref<1024xi32, #tpu.memory_space<hbm>>
            %dma_start3A_320 = arith.constant 0 : i32
            %dma_start3A_321 = tpu.memref_slice %arg9[%select_n3A_298, %dma_start3A_320] : memref<4x1024xi32, #tpu.memory_space<vmem>> -> memref<1x1024xi32, #tpu.memory_space<vmem>>
            %dma_start3A_322 = tpu.memref_squeeze %dma_start3A_321 : memref<1x1024xi32, #tpu.memory_space<vmem>> -> memref<1024xi32, #tpu.memory_space<vmem>>
            %dma_start3A_323 = tpu.memref_slice %arg3[%dma_start3A_314, %add3A_303] : memref<2x327680xi32, #tpu.memory_space<hbm>> -> memref<1x1024xi32, #tpu.memory_space<hbm>>
            %dma_start3A_324 = tpu.memref_squeeze %dma_start3A_323 : memref<1x1024xi32, #tpu.memory_space<hbm>> -> memref<1024xi32, #tpu.memory_space<hbm>>
            tpu.enqueue_dma source(%dma_start3A_324 : memref<1024xi32, #tpu.memory_space<hbm>>) target(%dma_start3A_322 : memref<1024xi32, #tpu.memory_space<vmem>>) target_semaphore(%arg17 : memref<!tpu.dma_semaphore, #tpu.memory_space<semaphore_mem>>)
            %dma_start3A_325 = arith.constant 0 : i32
            %dma_start3A_326 = arith.constant 0 : i32
            %dma_start3A_327 = tpu.memref_slice %arg10[%select_n3A_298, %dma_start3A_326] : memref<4x1024xi32, #tpu.memory_space<vmem>> -> memref<1x1024xi32, #tpu.memory_space<vmem>>
            %dma_start3A_328 = tpu.memref_squeeze %dma_start3A_327 : memref<1x1024xi32, #tpu.memory_space<vmem>> -> memref<1024xi32, #tpu.memory_space<vmem>>
            %dma_start3A_329 = tpu.memref_slice %arg3[%dma_start3A_325, %add3A_303] : memref<2x327680xi32, #tpu.memory_space<hbm>> -> memref<1x1024xi32, #tpu.memory_space<hbm>>
            %dma_start3A_330 = tpu.memref_squeeze %dma_start3A_329 : memref<1x1024xi32, #tpu.memory_space<hbm>> -> memref<1024xi32, #tpu.memory_space<hbm>>
            %dma_start3A_331 = arith.constant 0 : i32
            %dma_start3A_332 = tpu.memref_slice %arg10[%select_n3A_298, %dma_start3A_331] : memref<4x1024xi32, #tpu.memory_space<vmem>> -> memref<1x1024xi32, #tpu.memory_space<vmem>>
            %dma_start3A_333 = tpu.memref_squeeze %dma_start3A_332 : memref<1x1024xi32, #tpu.memory_space<vmem>> -> memref<1024xi32, #tpu.memory_space<vmem>>
            %dma_start3A_334 = tpu.memref_slice %arg3[%dma_start3A_325, %add3A_303] : memref<2x327680xi32, #tpu.memory_space<hbm>> -> memref<1x1024xi32, #tpu.memory_space<hbm>>
            %dma_start3A_335 = tpu.memref_squeeze %dma_start3A_334 : memref<1x1024xi32, #tpu.memory_space<hbm>> -> memref<1024xi32, #tpu.memory_space<hbm>>
            tpu.enqueue_dma source(%dma_start3A_335 : memref<1024xi32, #tpu.memory_space<hbm>>) target(%dma_start3A_333 : memref<1024xi32, #tpu.memory_space<vmem>>) target_semaphore(%arg17 : memref<!tpu.dma_semaphore, #tpu.memory_space<semaphore_mem>>)
            %dma_start3A_336 = arith.constant 0 : i32
            %dma_start3A_337 = tpu.memref_slice %arg11[%select_n3A_298, %dma_start3A_336] : memref<4x1024xf32, #tpu.memory_space<vmem>> -> memref<1x1024xf32, #tpu.memory_space<vmem>>
            %dma_start3A_338 = tpu.memref_squeeze %dma_start3A_337 : memref<1x1024xf32, #tpu.memory_space<vmem>> -> memref<1024xf32, #tpu.memory_space<vmem>>
            %dma_start3A_339 = tpu.memref_slice %arg4[%add3A_303] : memref<327680xf32, #tpu.memory_space<hbm>> -> memref<1024xf32, #tpu.memory_space<hbm>>
            %dma_start3A_340 = arith.constant 0 : i32
            %dma_start3A_341 = tpu.memref_slice %arg11[%select_n3A_298, %dma_start3A_340] : memref<4x1024xf32, #tpu.memory_space<vmem>> -> memref<1x1024xf32, #tpu.memory_space<vmem>>
            %dma_start3A_342 = tpu.memref_squeeze %dma_start3A_341 : memref<1x1024xf32, #tpu.memory_space<vmem>> -> memref<1024xf32, #tpu.memory_space<vmem>>
            %dma_start3A_343 = tpu.memref_slice %arg4[%add3A_303] : memref<327680xf32, #tpu.memory_space<hbm>> -> memref<1024xf32, #tpu.memory_space<hbm>>
            tpu.enqueue_dma source(%dma_start3A_343 : memref<1024xf32, #tpu.memory_space<hbm>>) target(%dma_start3A_342 : memref<1024xf32, #tpu.memory_space<vmem>>) target_semaphore(%arg17 : memref<!tpu.dma_semaphore, #tpu.memory_space<semaphore_mem>>)
          } else {
          }
          %eq3A_309 = arith.constant 1 : i32
          %eq3A_310 = arith.cmpi eq, %arg0, %eq3A_309 : i32
          %convert_element_type3A_311 = arith.extui %eq3A_310 : i1 to i32
          %cond3A_312 = arith.constant 0 : i32
          %cond3A_313 = arith.cmpi ne, %convert_element_type3A_311, %cond3A_312 : i32
          scf.if %cond3A_313 {
            %dma_start3A_314 = arith.constant 1 : i32
            %dma_start3A_315 = arith.constant 0 : i32
            %dma_start3A_316 = tpu.memref_slice %arg9[%select_n3A_298, %dma_start3A_315] : memref<4x1024xi32, #tpu.memory_space<vmem>> -> memref<1x1024xi32, #tpu.memory_space<vmem>>
            %dma_start3A_317 = tpu.memref_squeeze %dma_start3A_316 : memref<1x1024xi32, #tpu.memory_space<vmem>> -> memref<1024xi32, #tpu.memory_space<vmem>>
            %dma_start3A_318 = tpu.memref_slice %arg5[%dma_start3A_314, %add3A_303] : memref<2x327680xi32, #tpu.memory_space<hbm>> -> memref<1x1024xi32, #tpu.memory_space<hbm>>
            %dma_start3A_319 = tpu.memref_squeeze %dma_start3A_318 : memref<1x1024xi32, #tpu.memory_space<hbm>> -> memref<1024xi32, #tpu.memory_space<hbm>>
            %dma_start3A_320 = arith.constant 0 : i32
            %dma_start3A_321 = tpu.memref_slice %arg9[%select_n3A_298, %dma_start3A_320] : memref<4x1024xi32, #tpu.memory_space<vmem>> -> memref<1x1024xi32, #tpu.memory_space<vmem>>
            %dma_start3A_322 = tpu.memref_squeeze %dma_start3A_321 : memref<1x1024xi32, #tpu.memory_space<vmem>> -> memref<1024xi32, #tpu.memory_space<vmem>>
            %dma_start3A_323 = tpu.memref_slice %arg5[%dma_start3A_314, %add3A_303] : memref<2x327680xi32, #tpu.memory_space<hbm>> -> memref<1x1024xi32, #tpu.memory_space<hbm>>
            %dma_start3A_324 = tpu.memref_squeeze %dma_start3A_323 : memref<1x1024xi32, #tpu.memory_space<hbm>> -> memref<1024xi32, #tpu.memory_space<hbm>>
            tpu.enqueue_dma source(%dma_start3A_324 : memref<1024xi32, #tpu.memory_space<hbm>>) target(%dma_start3A_322 : memref<1024xi32, #tpu.memory_space<vmem>>) target_semaphore(%arg17 : memref<!tpu.dma_semaphore, #tpu.memory_space<semaphore_mem>>)
            %dma_start3A_325 = arith.constant 0 : i32
            %dma_start3A_326 = arith.constant 0 : i32
            %dma_start3A_327 = tpu.memref_slice %arg10[%select_n3A_298, %dma_start3A_326] : memref<4x1024xi32, #tpu.memory_space<vmem>> -> memref<1x1024xi32, #tpu.memory_space<vmem>>
            %dma_start3A_328 = tpu.memref_squeeze %dma_start3A_327 : memref<1x1024xi32, #tpu.memory_space<vmem>> -> memref<1024xi32, #tpu.memory_space<vmem>>
            %dma_start3A_329 = tpu.memref_slice %arg5[%dma_start3A_325, %add3A_303] : memref<2x327680xi32, #tpu.memory_space<hbm>> -> memref<1x1024xi32, #tpu.memory_space<hbm>>
            %dma_start3A_330 = tpu.memref_squeeze %dma_start3A_329 : memref<1x1024xi32, #tpu.memory_space<hbm>> -> memref<1024xi32, #tpu.memory_space<hbm>>
            %dma_start3A_331 = arith.constant 0 : i32
            %dma_start3A_332 = tpu.memref_slice %arg10[%select_n3A_298, %dma_start3A_331] : memref<4x1024xi32, #tpu.memory_space<vmem>> -> memref<1x1024xi32, #tpu.memory_space<vmem>>
            %dma_start3A_333 = tpu.memref_squeeze %dma_start3A_332 : memref<1x1024xi32, #tpu.memory_space<vmem>> -> memref<1024xi32, #tpu.memory_space<vmem>>
            %dma_start3A_334 = tpu.memref_slice %arg5[%dma_start3A_325, %add3A_303] : memref<2x327680xi32, #tpu.memory_space<hbm>> -> memref<1x1024xi32, #tpu.memory_space<hbm>>
            %dma_start3A_335 = tpu.memref_squeeze %dma_start3A_334 : memref<1x1024xi32, #tpu.memory_space<hbm>> -> memref<1024xi32, #tpu.memory_space<hbm>>
            tpu.enqueue_dma source(%dma_start3A_335 : memref<1024xi32, #tpu.memory_space<hbm>>) target(%dma_start3A_333 : memref<1024xi32, #tpu.memory_space<vmem>>) target_semaphore(%arg17 : memref<!tpu.dma_semaphore, #tpu.memory_space<semaphore_mem>>)
            %dma_start3A_336 = arith.constant 0 : i32
            %dma_start3A_337 = tpu.memref_slice %arg11[%select_n3A_298, %dma_start3A_336] : memref<4x1024xf32, #tpu.memory_space<vmem>> -> memref<1x1024xf32, #tpu.memory_space<vmem>>
            %dma_start3A_338 = tpu.memref_squeeze %dma_start3A_337 : memref<1x1024xf32, #tpu.memory_space<vmem>> -> memref<1024xf32, #tpu.memory_space<vmem>>
            %dma_start3A_339 = tpu.memref_slice %arg6[%add3A_303] : memref<327680xf32, #tpu.memory_space<hbm>> -> memref<1024xf32, #tpu.memory_space<hbm>>
            %dma_start3A_340 = arith.constant 0 : i32
            %dma_start3A_341 = tpu.memref_slice %arg11[%select_n3A_298, %dma_start3A_340] : memref<4x1024xf32, #tpu.memory_space<vmem>> -> memref<1x1024xf32, #tpu.memory_space<vmem>>
            %dma_start3A_342 = tpu.memref_squeeze %dma_start3A_341 : memref<1x1024xf32, #tpu.memory_space<vmem>> -> memref<1024xf32, #tpu.memory_space<vmem>>
            %dma_start3A_343 = tpu.memref_slice %arg6[%add3A_303] : memref<327680xf32, #tpu.memory_space<hbm>> -> memref<1024xf32, #tpu.memory_space<hbm>>
            tpu.enqueue_dma source(%dma_start3A_343 : memref<1024xf32, #tpu.memory_space<hbm>>) target(%dma_start3A_342 : memref<1024xf32, #tpu.memory_space<vmem>>) target_semaphore(%arg17 : memref<!tpu.dma_semaphore, #tpu.memory_space<semaphore_mem>>)
          } else {
          }
        } else {
        }
        %jit3A_262 = arith.constant 2 : i32
        %eq3A_263 = arith.constant 0 : i32
        %eq3A_264 = arith.cmpi eq, %jit3A_262, %eq3A_263 : i32
        %jit3A_265 = arith.constant 1 : i32
        %select_n3A_266 = arith.select %eq3A_264, %jit3A_265, %jit3A_262 : i32
        %rem3A_267 = arith.remsi %add3A_240, %select_n3A_266 : i32
        %ne3A_268 = arith.constant 0 : i32
        %ne3A_269 = arith.cmpi ne, %rem3A_267, %ne3A_268 : i32
        %lt3A_270 = arith.constant 0 : i32
        %lt3A_271 = arith.cmpi slt, %rem3A_267, %lt3A_270 : i32
        %lt3A_272 = arith.constant 0 : i32
        %lt3A_273 = arith.cmpi slt, %select_n3A_266, %lt3A_272 : i32
        %ne3A_274 = arith.xori %lt3A_271, %lt3A_273 : i1
        %and3A_275 = arith.andi %ne3A_274, %ne3A_269 : i1
        %add3A_276 = arith.addi %rem3A_267, %select_n3A_266 : i32
        %select_n3A_277 = arith.select %and3A_275, %add3A_276, %rem3A_267 : i32
        %eq3A_278 = arith.constant 1 : i32
        %eq3A_279 = arith.cmpi eq, %select_n3A_277, %eq3A_278 : i32
        %convert_element_type3A_280 = arith.extui %eq3A_279 : i1 to i32
        %cond3A_281 = arith.constant 0 : i32
        %cond3A_282 = arith.cmpi ne, %convert_element_type3A_280, %cond3A_281 : i32
        scf.if %cond3A_282 {
          %jit3A_283 = arith.constant 4 : i32
          %eq3A_284 = arith.constant 0 : i32
          %eq3A_285 = arith.cmpi eq, %jit3A_283, %eq3A_284 : i32
          %jit3A_286 = arith.constant 1 : i32
          %select_n3A_287 = arith.select %eq3A_285, %jit3A_286, %jit3A_283 : i32
          %rem3A_288 = arith.remsi %add3A_240, %select_n3A_287 : i32
          %ne3A_289 = arith.constant 0 : i32
          %ne3A_290 = arith.cmpi ne, %rem3A_288, %ne3A_289 : i32
          %lt3A_291 = arith.constant 0 : i32
          %lt3A_292 = arith.cmpi slt, %rem3A_288, %lt3A_291 : i32
          %lt3A_293 = arith.constant 0 : i32
          %lt3A_294 = arith.cmpi slt, %select_n3A_287, %lt3A_293 : i32
          %ne3A_295 = arith.xori %lt3A_292, %lt3A_294 : i1
          %and3A_296 = arith.andi %ne3A_295, %ne3A_290 : i1
          %add3A_297 = arith.addi %rem3A_288, %select_n3A_287 : i32
          %select_n3A_298 = arith.select %and3A_296, %add3A_297, %rem3A_288 : i32
          %mul3A_299 = arith.constant 20480 : i32
          %mul3A_300 = arith.muli %arg1, %mul3A_299 : i32
          %mul3A_301 = arith.constant 1024 : i32
          %mul3A_302 = arith.muli %add3A_240, %mul3A_301 : i32
          %add3A_303 = arith.addi %mul3A_300, %mul3A_302 : i32
          %eq3A_304 = arith.constant 0 : i32
          %eq3A_305 = arith.cmpi eq, %arg0, %eq3A_304 : i32
          %convert_element_type3A_306 = arith.extui %eq3A_305 : i1 to i32
          %cond3A_307 = arith.constant 0 : i32
          %cond3A_308 = arith.cmpi ne, %convert_element_type3A_306, %cond3A_307 : i32
          scf.if %cond3A_308 {
            %dma_start3A_314 = arith.constant 1 : i32
            %dma_start3A_315 = arith.constant 0 : i32
            %dma_start3A_316 = tpu.memref_slice %arg9[%select_n3A_298, %dma_start3A_315] : memref<4x1024xi32, #tpu.memory_space<vmem>> -> memref<1x1024xi32, #tpu.memory_space<vmem>>
            %dma_start3A_317 = tpu.memref_squeeze %dma_start3A_316 : memref<1x1024xi32, #tpu.memory_space<vmem>> -> memref<1024xi32, #tpu.memory_space<vmem>>
            %dma_start3A_318 = tpu.memref_slice %arg3[%dma_start3A_314, %add3A_303] : memref<2x327680xi32, #tpu.memory_space<hbm>> -> memref<1x1024xi32, #tpu.memory_space<hbm>>
            %dma_start3A_319 = tpu.memref_squeeze %dma_start3A_318 : memref<1x1024xi32, #tpu.memory_space<hbm>> -> memref<1024xi32, #tpu.memory_space<hbm>>
            %dma_start3A_320 = arith.constant 0 : i32
            %dma_start3A_321 = tpu.memref_slice %arg9[%select_n3A_298, %dma_start3A_320] : memref<4x1024xi32, #tpu.memory_space<vmem>> -> memref<1x1024xi32, #tpu.memory_space<vmem>>
            %dma_start3A_322 = tpu.memref_squeeze %dma_start3A_321 : memref<1x1024xi32, #tpu.memory_space<vmem>> -> memref<1024xi32, #tpu.memory_space<vmem>>
            %dma_start3A_323 = tpu.memref_slice %arg3[%dma_start3A_314, %add3A_303] : memref<2x327680xi32, #tpu.memory_space<hbm>> -> memref<1x1024xi32, #tpu.memory_space<hbm>>
            %dma_start3A_324 = tpu.memref_squeeze %dma_start3A_323 : memref<1x1024xi32, #tpu.memory_space<hbm>> -> memref<1024xi32, #tpu.memory_space<hbm>>
            tpu.enqueue_dma source(%dma_start3A_324 : memref<1024xi32, #tpu.memory_space<hbm>>) target(%dma_start3A_322 : memref<1024xi32, #tpu.memory_space<vmem>>) target_semaphore(%arg18 : memref<!tpu.dma_semaphore, #tpu.memory_space<semaphore_mem>>)
            %dma_start3A_325 = arith.constant 0 : i32
            %dma_start3A_326 = arith.constant 0 : i32
            %dma_start3A_327 = tpu.memref_slice %arg10[%select_n3A_298, %dma_start3A_326] : memref<4x1024xi32, #tpu.memory_space<vmem>> -> memref<1x1024xi32, #tpu.memory_space<vmem>>
            %dma_start3A_328 = tpu.memref_squeeze %dma_start3A_327 : memref<1x1024xi32, #tpu.memory_space<vmem>> -> memref<1024xi32, #tpu.memory_space<vmem>>
            %dma_start3A_329 = tpu.memref_slice %arg3[%dma_start3A_325, %add3A_303] : memref<2x327680xi32, #tpu.memory_space<hbm>> -> memref<1x1024xi32, #tpu.memory_space<hbm>>
            %dma_start3A_330 = tpu.memref_squeeze %dma_start3A_329 : memref<1x1024xi32, #tpu.memory_space<hbm>> -> memref<1024xi32, #tpu.memory_space<hbm>>
            %dma_start3A_331 = arith.constant 0 : i32
            %dma_start3A_332 = tpu.memref_slice %arg10[%select_n3A_298, %dma_start3A_331] : memref<4x1024xi32, #tpu.memory_space<vmem>> -> memref<1x1024xi32, #tpu.memory_space<vmem>>
            %dma_start3A_333 = tpu.memref_squeeze %dma_start3A_332 : memref<1x1024xi32, #tpu.memory_space<vmem>> -> memref<1024xi32, #tpu.memory_space<vmem>>
            %dma_start3A_334 = tpu.memref_slice %arg3[%dma_start3A_325, %add3A_303] : memref<2x327680xi32, #tpu.memory_space<hbm>> -> memref<1x1024xi32, #tpu.memory_space<hbm>>
            %dma_start3A_335 = tpu.memref_squeeze %dma_start3A_334 : memref<1x1024xi32, #tpu.memory_space<hbm>> -> memref<1024xi32, #tpu.memory_space<hbm>>
            tpu.enqueue_dma source(%dma_start3A_335 : memref<1024xi32, #tpu.memory_space<hbm>>) target(%dma_start3A_333 : memref<1024xi32, #tpu.memory_space<vmem>>) target_semaphore(%arg18 : memref<!tpu.dma_semaphore, #tpu.memory_space<semaphore_mem>>)
            %dma_start3A_336 = arith.constant 0 : i32
            %dma_start3A_337 = tpu.memref_slice %arg11[%select_n3A_298, %dma_start3A_336] : memref<4x1024xf32, #tpu.memory_space<vmem>> -> memref<1x1024xf32, #tpu.memory_space<vmem>>
            %dma_start3A_338 = tpu.memref_squeeze %dma_start3A_337 : memref<1x1024xf32, #tpu.memory_space<vmem>> -> memref<1024xf32, #tpu.memory_space<vmem>>
            %dma_start3A_339 = tpu.memref_slice %arg4[%add3A_303] : memref<327680xf32, #tpu.memory_space<hbm>> -> memref<1024xf32, #tpu.memory_space<hbm>>
            %dma_start3A_340 = arith.constant 0 : i32
            %dma_start3A_341 = tpu.memref_slice %arg11[%select_n3A_298, %dma_start3A_340] : memref<4x1024xf32, #tpu.memory_space<vmem>> -> memref<1x1024xf32, #tpu.memory_space<vmem>>
            %dma_start3A_342 = tpu.memref_squeeze %dma_start3A_341 : memref<1x1024xf32, #tpu.memory_space<vmem>> -> memref<1024xf32, #tpu.memory_space<vmem>>
            %dma_start3A_343 = tpu.memref_slice %arg4[%add3A_303] : memref<327680xf32, #tpu.memory_space<hbm>> -> memref<1024xf32, #tpu.memory_space<hbm>>
            tpu.enqueue_dma source(%dma_start3A_343 : memref<1024xf32, #tpu.memory_space<hbm>>) target(%dma_start3A_342 : memref<1024xf32, #tpu.memory_space<vmem>>) target_semaphore(%arg18 : memref<!tpu.dma_semaphore, #tpu.memory_space<semaphore_mem>>)
          } else {
          }
          %eq3A_309 = arith.constant 1 : i32
          %eq3A_310 = arith.cmpi eq, %arg0, %eq3A_309 : i32
          %convert_element_type3A_311 = arith.extui %eq3A_310 : i1 to i32
          %cond3A_312 = arith.constant 0 : i32
          %cond3A_313 = arith.cmpi ne, %convert_element_type3A_311, %cond3A_312 : i32
          scf.if %cond3A_313 {
            %dma_start3A_314 = arith.constant 1 : i32
            %dma_start3A_315 = arith.constant 0 : i32
            %dma_start3A_316 = tpu.memref_slice %arg9[%select_n3A_298, %dma_start3A_315] : memref<4x1024xi32, #tpu.memory_space<vmem>> -> memref<1x1024xi32, #tpu.memory_space<vmem>>
            %dma_start3A_317 = tpu.memref_squeeze %dma_start3A_316 : memref<1x1024xi32, #tpu.memory_space<vmem>> -> memref<1024xi32, #tpu.memory_space<vmem>>
            %dma_start3A_318 = tpu.memref_slice %arg5[%dma_start3A_314, %add3A_303] : memref<2x327680xi32, #tpu.memory_space<hbm>> -> memref<1x1024xi32, #tpu.memory_space<hbm>>
            %dma_start3A_319 = tpu.memref_squeeze %dma_start3A_318 : memref<1x1024xi32, #tpu.memory_space<hbm>> -> memref<1024xi32, #tpu.memory_space<hbm>>
            %dma_start3A_320 = arith.constant 0 : i32
            %dma_start3A_321 = tpu.memref_slice %arg9[%select_n3A_298, %dma_start3A_320] : memref<4x1024xi32, #tpu.memory_space<vmem>> -> memref<1x1024xi32, #tpu.memory_space<vmem>>
            %dma_start3A_322 = tpu.memref_squeeze %dma_start3A_321 : memref<1x1024xi32, #tpu.memory_space<vmem>> -> memref<1024xi32, #tpu.memory_space<vmem>>
            %dma_start3A_323 = tpu.memref_slice %arg5[%dma_start3A_314, %add3A_303] : memref<2x327680xi32, #tpu.memory_space<hbm>> -> memref<1x1024xi32, #tpu.memory_space<hbm>>
            %dma_start3A_324 = tpu.memref_squeeze %dma_start3A_323 : memref<1x1024xi32, #tpu.memory_space<hbm>> -> memref<1024xi32, #tpu.memory_space<hbm>>
            tpu.enqueue_dma source(%dma_start3A_324 : memref<1024xi32, #tpu.memory_space<hbm>>) target(%dma_start3A_322 : memref<1024xi32, #tpu.memory_space<vmem>>) target_semaphore(%arg18 : memref<!tpu.dma_semaphore, #tpu.memory_space<semaphore_mem>>)
            %dma_start3A_325 = arith.constant 0 : i32
            %dma_start3A_326 = arith.constant 0 : i32
            %dma_start3A_327 = tpu.memref_slice %arg10[%select_n3A_298, %dma_start3A_326] : memref<4x1024xi32, #tpu.memory_space<vmem>> -> memref<1x1024xi32, #tpu.memory_space<vmem>>
            %dma_start3A_328 = tpu.memref_squeeze %dma_start3A_327 : memref<1x1024xi32, #tpu.memory_space<vmem>> -> memref<1024xi32, #tpu.memory_space<vmem>>
            %dma_start3A_329 = tpu.memref_slice %arg5[%dma_start3A_325, %add3A_303] : memref<2x327680xi32, #tpu.memory_space<hbm>> -> memref<1x1024xi32, #tpu.memory_space<hbm>>
            %dma_start3A_330 = tpu.memref_squeeze %dma_start3A_329 : memref<1x1024xi32, #tpu.memory_space<hbm>> -> memref<1024xi32, #tpu.memory_space<hbm>>
            %dma_start3A_331 = arith.constant 0 : i32
            %dma_start3A_332 = tpu.memref_slice %arg10[%select_n3A_298, %dma_start3A_331] : memref<4x1024xi32, #tpu.memory_space<vmem>> -> memref<1x1024xi32, #tpu.memory_space<vmem>>
            %dma_start3A_333 = tpu.memref_squeeze %dma_start3A_332 : memref<1x1024xi32, #tpu.memory_space<vmem>> -> memref<1024xi32, #tpu.memory_space<vmem>>
            %dma_start3A_334 = tpu.memref_slice %arg5[%dma_start3A_325, %add3A_303] : memref<2x327680xi32, #tpu.memory_space<hbm>> -> memref<1x1024xi32, #tpu.memory_space<hbm>>
            %dma_start3A_335 = tpu.memref_squeeze %dma_start3A_334 : memref<1x1024xi32, #tpu.memory_space<hbm>> -> memref<1024xi32, #tpu.memory_space<hbm>>
            tpu.enqueue_dma source(%dma_start3A_335 : memref<1024xi32, #tpu.memory_space<hbm>>) target(%dma_start3A_333 : memref<1024xi32, #tpu.memory_space<vmem>>) target_semaphore(%arg18 : memref<!tpu.dma_semaphore, #tpu.memory_space<semaphore_mem>>)
            %dma_start3A_336 = arith.constant 0 : i32
            %dma_start3A_337 = tpu.memref_slice %arg11[%select_n3A_298, %dma_start3A_336] : memref<4x1024xf32, #tpu.memory_space<vmem>> -> memref<1x1024xf32, #tpu.memory_space<vmem>>
            %dma_start3A_338 = tpu.memref_squeeze %dma_start3A_337 : memref<1x1024xf32, #tpu.memory_space<vmem>> -> memref<1024xf32, #tpu.memory_space<vmem>>
            %dma_start3A_339 = tpu.memref_slice %arg6[%add3A_303] : memref<327680xf32, #tpu.memory_space<hbm>> -> memref<1024xf32, #tpu.memory_space<hbm>>
            %dma_start3A_340 = arith.constant 0 : i32
            %dma_start3A_341 = tpu.memref_slice %arg11[%select_n3A_298, %dma_start3A_340] : memref<4x1024xf32, #tpu.memory_space<vmem>> -> memref<1x1024xf32, #tpu.memory_space<vmem>>
            %dma_start3A_342 = tpu.memref_squeeze %dma_start3A_341 : memref<1x1024xf32, #tpu.memory_space<vmem>> -> memref<1024xf32, #tpu.memory_space<vmem>>
            %dma_start3A_343 = tpu.memref_slice %arg6[%add3A_303] : memref<327680xf32, #tpu.memory_space<hbm>> -> memref<1024xf32, #tpu.memory_space<hbm>>
            tpu.enqueue_dma source(%dma_start3A_343 : memref<1024xf32, #tpu.memory_space<hbm>>) target(%dma_start3A_342 : memref<1024xf32, #tpu.memory_space<vmem>>) target_semaphore(%arg18 : memref<!tpu.dma_semaphore, #tpu.memory_space<semaphore_mem>>)
          } else {
          }
        } else {
        }
      } else {
      }
      %jit3A = arith.constant 4 : i32
      %eq3A_113 = arith.constant 0 : i32
      %eq3A_114 = arith.cmpi eq, %jit3A, %eq3A_113 : i32
      %jit3A_115 = arith.constant 1 : i32
      %select_n3A = arith.select %eq3A_114, %jit3A_115, %jit3A : i32
      %rem3A = arith.remsi %scan3A_108, %select_n3A : i32
      %ne3A = arith.constant 0 : i32
      %ne3A_116 = arith.cmpi ne, %rem3A, %ne3A : i32
      %lt3A_117 = arith.constant 0 : i32
      %lt3A_118 = arith.cmpi slt, %rem3A, %lt3A_117 : i32
      %lt3A_119 = arith.constant 0 : i32
      %lt3A_120 = arith.cmpi slt, %select_n3A, %lt3A_119 : i32
      %ne3A_121 = arith.xori %lt3A_118, %lt3A_120 : i1
      %and3A = arith.andi %ne3A_121, %ne3A_116 : i1
      %add3A_122 = arith.addi %rem3A, %select_n3A : i32
      %select_n3A_123 = arith.select %and3A, %add3A_122, %rem3A : i32
      %jit3A_124 = arith.constant 2 : i32
      %eq3A_125 = arith.constant 0 : i32
      %eq3A_126 = arith.cmpi eq, %jit3A_124, %eq3A_125 : i32
      %jit3A_127 = arith.constant 1 : i32
      %select_n3A_128 = arith.select %eq3A_126, %jit3A_127, %jit3A_124 : i32
      %rem3A_129 = arith.remsi %scan3A_108, %select_n3A_128 : i32
      %ne3A_130 = arith.constant 0 : i32
      %ne3A_131 = arith.cmpi ne, %rem3A_129, %ne3A_130 : i32
      %lt3A_132 = arith.constant 0 : i32
      %lt3A_133 = arith.cmpi slt, %rem3A_129, %lt3A_132 : i32
      %lt3A_134 = arith.constant 0 : i32
      %lt3A_135 = arith.cmpi slt, %select_n3A_128, %lt3A_134 : i32
      %ne3A_136 = arith.xori %lt3A_133, %lt3A_135 : i1
      %and3A_137 = arith.andi %ne3A_136, %ne3A_131 : i1
      %add3A_138 = arith.addi %rem3A_129, %select_n3A_128 : i32
      %select_n3A_139 = arith.select %and3A_137, %add3A_138, %rem3A_129 : i32
      %dma_wait3A_140 = arith.constant 0 : i32
      %dma_wait3A_141 = arith.constant 0 : i32
      %dma_wait3A_142 = tpu.memref_slice %arg12[%select_n3A_139, %dma_wait3A_140, %dma_wait3A_141] : memref<2x1024x32xf32, #tpu.memory_space<vmem>> -> memref<1x1024x32xf32, #tpu.memory_space<vmem>>
      %dma_wait3A_143 = tpu.memref_squeeze %dma_wait3A_142 : memref<1x1024x32xf32, #tpu.memory_space<vmem>> -> memref<1024x32xf32, #tpu.memory_space<vmem>>
      %dma_wait3A_144 = arith.constant 0 : i32
      %dma_wait3A_145 = tpu.memref_slice %arg9[%select_n3A_123, %dma_wait3A_144] : memref<4x1024xi32, #tpu.memory_space<vmem>> -> memref<1x1024xi32, #tpu.memory_space<vmem>>
      %dma_wait3A_146 = tpu.memref_squeeze %dma_wait3A_145 : memref<1x1024xi32, #tpu.memory_space<vmem>> -> memref<1024xi32, #tpu.memory_space<vmem>>
      %dma_wait3A_147 = arith.constant 0 : i32
      %dma_wait3A_148 = arith.constant 0 : i32
      %dma_wait3A_149 = tpu.memref_slice %arg14[%dma_wait3A_147, %dma_wait3A_148] : memref<10000x32xf32, #tpu.memory_space<vmem_shared>> -> memref<10000x32xf32, #tpu.memory_space<vmem_shared>>
      tpu.wait_indirect_dma semaphore(%arg15 : memref<!tpu.dma_semaphore, #tpu.memory_space<semaphore_mem>>) src(%dma_wait3A_149 : memref<10000x32xf32, #tpu.memory_space<vmem_shared>>) dst(%dma_wait3A_143 : memref<1024x32xf32, #tpu.memory_space<vmem>>)
      %ge3A = arith.constant 1 : i32
      %ge3A_150 = arith.cmpi sge, %scan3A_108, %ge3A : i32
      %convert_element_type3A_151 = arith.extui %ge3A_150 : i1 to i32
      %cond3A_152 = arith.constant 0 : i32
      %cond3A_153 = arith.cmpi ne, %convert_element_type3A_151, %cond3A_152 : i32
      scf.if %cond3A_153 {
        %sub3A = arith.constant 1 : i32
        %sub3A_239 = arith.subi %scan3A_108, %sub3A : i32
        %jit3A_240 = arith.constant 2 : i32
        %eq3A_241 = arith.constant 0 : i32
        %eq3A_242 = arith.cmpi eq, %jit3A_240, %eq3A_241 : i32
        %jit3A_243 = arith.constant 1 : i32
        %select_n3A_244 = arith.select %eq3A_242, %jit3A_243, %jit3A_240 : i32
        %rem3A_245 = arith.remsi %sub3A_239, %select_n3A_244 : i32
        %ne3A_246 = arith.constant 0 : i32
        %ne3A_247 = arith.cmpi ne, %rem3A_245, %ne3A_246 : i32
        %lt3A_248 = arith.constant 0 : i32
        %lt3A_249 = arith.cmpi slt, %rem3A_245, %lt3A_248 : i32
        %lt3A_250 = arith.constant 0 : i32
        %lt3A_251 = arith.cmpi slt, %select_n3A_244, %lt3A_250 : i32
        %ne3A_252 = arith.xori %lt3A_249, %lt3A_251 : i1
        %and3A_253 = arith.andi %ne3A_252, %ne3A_247 : i1
        %add3A_254 = arith.addi %rem3A_245, %select_n3A_244 : i32
        %select_n3A_255 = arith.select %and3A_253, %add3A_254, %rem3A_245 : i32
        %jit3A_256 = arith.constant 4 : i32
        %eq3A_257 = arith.constant 0 : i32
        %eq3A_258 = arith.cmpi eq, %jit3A_256, %eq3A_257 : i32
        %jit3A_259 = arith.constant 1 : i32
        %select_n3A_260 = arith.select %eq3A_258, %jit3A_259, %jit3A_256 : i32
        %rem3A_261 = arith.remsi %sub3A_239, %select_n3A_260 : i32
        %ne3A_262 = arith.constant 0 : i32
        %ne3A_263 = arith.cmpi ne, %rem3A_261, %ne3A_262 : i32
        %lt3A_264 = arith.constant 0 : i32
        %lt3A_265 = arith.cmpi slt, %rem3A_261, %lt3A_264 : i32
        %lt3A_266 = arith.constant 0 : i32
        %lt3A_267 = arith.cmpi slt, %select_n3A_260, %lt3A_266 : i32
        %ne3A_268 = arith.xori %lt3A_265, %lt3A_267 : i1
        %and3A_269 = arith.andi %ne3A_268, %ne3A_263 : i1
        %add3A_270 = arith.addi %rem3A_261, %select_n3A_260 : i32
        %select_n3A_271 = arith.select %and3A_269, %add3A_270, %rem3A_261 : i32
        %dma_wait3A_272 = arith.constant 0 : i32
        %dma_wait3A_273 = arith.constant 0 : i32
        %dma_wait3A_274 = tpu.memref_slice %arg12[%select_n3A_255, %dma_wait3A_272, %dma_wait3A_273] : memref<2x1024x32xf32, #tpu.memory_space<vmem>> -> memref<1x1024x32xf32, #tpu.memory_space<vmem>>
        %dma_wait3A_275 = tpu.memref_squeeze %dma_wait3A_274 : memref<1x1024x32xf32, #tpu.memory_space<vmem>> -> memref<1024x32xf32, #tpu.memory_space<vmem>>
        %dma_wait3A_276 = arith.constant 0 : i32
        %dma_wait3A_277 = tpu.memref_slice %arg10[%select_n3A_271, %dma_wait3A_276] : memref<4x1024xi32, #tpu.memory_space<vmem>> -> memref<1x1024xi32, #tpu.memory_space<vmem>>
        %dma_wait3A_278 = tpu.memref_squeeze %dma_wait3A_277 : memref<1x1024xi32, #tpu.memory_space<vmem>> -> memref<1024xi32, #tpu.memory_space<vmem>>
        %dma_wait3A_279 = arith.constant 0 : i32
        %dma_wait3A_280 = arith.constant 0 : i32
        %dma_wait3A_281 = tpu.memref_slice %arg13[%dma_wait3A_279, %dma_wait3A_280] : memref<10000x32xf32, #tpu.memory_space<vmem_shared>> -> memref<10000x32xf32, #tpu.memory_space<vmem_shared>>
        tpu.wait_indirect_dma semaphore(%arg16 : memref<!tpu.dma_semaphore, #tpu.memory_space<semaphore_mem>>) src(%dma_wait3A_275 : memref<1024x32xf32, #tpu.memory_space<vmem>>) dst(%dma_wait3A_281 : memref<10000x32xf32, #tpu.memory_space<vmem_shared>>)
      } else {
      }
      %lt3A_154 = arith.constant 19 : i32
      %lt3A_155 = arith.cmpi slt, %scan3A_108, %lt3A_154 : i32
      %convert_element_type3A_156 = arith.extui %lt3A_155 : i1 to i32
      %cond3A_157 = arith.constant 0 : i32
      %cond3A_158 = arith.cmpi ne, %convert_element_type3A_156, %cond3A_157 : i32
      scf.if %cond3A_158 {
        %add3A_239 = arith.constant 1 : i32
        %add3A_240 = arith.addi %scan3A_108, %add3A_239 : i32
        %jit3A_241 = arith.constant 2 : i32
        %eq3A_242 = arith.constant 0 : i32
        %eq3A_243 = arith.cmpi eq, %jit3A_241, %eq3A_242 : i32
        %jit3A_244 = arith.constant 1 : i32
        %select_n3A_245 = arith.select %eq3A_243, %jit3A_244, %jit3A_241 : i32
        %rem3A_246 = arith.remsi %add3A_240, %select_n3A_245 : i32
        %ne3A_247 = arith.constant 0 : i32
        %ne3A_248 = arith.cmpi ne, %rem3A_246, %ne3A_247 : i32
        %lt3A_249 = arith.constant 0 : i32
        %lt3A_250 = arith.cmpi slt, %rem3A_246, %lt3A_249 : i32
        %lt3A_251 = arith.constant 0 : i32
        %lt3A_252 = arith.cmpi slt, %select_n3A_245, %lt3A_251 : i32
        %ne3A_253 = arith.xori %lt3A_250, %lt3A_252 : i1
        %and3A_254 = arith.andi %ne3A_253, %ne3A_248 : i1
        %add3A_255 = arith.addi %rem3A_246, %select_n3A_245 : i32
        %select_n3A_256 = arith.select %and3A_254, %add3A_255, %rem3A_246 : i32
        %eq3A_257 = arith.constant 0 : i32
        %eq3A_258 = arith.cmpi eq, %select_n3A_256, %eq3A_257 : i32
        %convert_element_type3A_259 = arith.extui %eq3A_258 : i1 to i32
        %cond3A_260 = arith.constant 0 : i32
        %cond3A_261 = arith.cmpi ne, %convert_element_type3A_259, %cond3A_260 : i32
        scf.if %cond3A_261 {
          %jit3A_327 = arith.constant 4 : i32
          %eq3A_328 = arith.constant 0 : i32
          %eq3A_329 = arith.cmpi eq, %jit3A_327, %eq3A_328 : i32
          %jit3A_330 = arith.constant 1 : i32
          %select_n3A_331 = arith.select %eq3A_329, %jit3A_330, %jit3A_327 : i32
          %rem3A_332 = arith.remsi %add3A_240, %select_n3A_331 : i32
          %ne3A_333 = arith.constant 0 : i32
          %ne3A_334 = arith.cmpi ne, %rem3A_332, %ne3A_333 : i32
          %lt3A_335 = arith.constant 0 : i32
          %lt3A_336 = arith.cmpi slt, %rem3A_332, %lt3A_335 : i32
          %lt3A_337 = arith.constant 0 : i32
          %lt3A_338 = arith.cmpi slt, %select_n3A_331, %lt3A_337 : i32
          %ne3A_339 = arith.xori %lt3A_336, %lt3A_338 : i1
          %and3A_340 = arith.andi %ne3A_339, %ne3A_334 : i1
          %add3A_341 = arith.addi %rem3A_332, %select_n3A_331 : i32
          %select_n3A_342 = arith.select %and3A_340, %add3A_341, %rem3A_332 : i32
          %dma_wait3A_343 = arith.constant 1 : i32
          %dma_wait3A_344 = arith.constant 0 : i32
          %dma_wait3A_345 = tpu.memref_slice %arg9[%select_n3A_342, %dma_wait3A_344] : memref<4x1024xi32, #tpu.memory_space<vmem>> -> memref<1x1024xi32, #tpu.memory_space<vmem>>
          %dma_wait3A_346 = tpu.memref_squeeze %dma_wait3A_345 : memref<1x1024xi32, #tpu.memory_space<vmem>> -> memref<1024xi32, #tpu.memory_space<vmem>>
          %dma_wait3A_347 = arith.constant 0 : i32
          %dma_wait3A_348 = tpu.memref_slice %arg3[%dma_wait3A_343, %dma_wait3A_347] : memref<2x327680xi32, #tpu.memory_space<hbm>> -> memref<1x1024xi32, #tpu.memory_space<hbm>>
          %dma_wait3A_349 = tpu.memref_squeeze %dma_wait3A_348 : memref<1x1024xi32, #tpu.memory_space<hbm>> -> memref<1024xi32, #tpu.memory_space<hbm>>
          %dma_wait3A_350 = arith.constant 0 : i32
          %dma_wait3A_351 = tpu.memref_slice %arg9[%select_n3A_342, %dma_wait3A_350] : memref<4x1024xi32, #tpu.memory_space<vmem>> -> memref<1x1024xi32, #tpu.memory_space<vmem>>
          %dma_wait3A_352 = tpu.memref_squeeze %dma_wait3A_351 : memref<1x1024xi32, #tpu.memory_space<vmem>> -> memref<1024xi32, #tpu.memory_space<vmem>>
          %dma_wait3A_353 = arith.constant 0 : i32
          %dma_wait3A_354 = tpu.memref_slice %arg3[%dma_wait3A_343, %dma_wait3A_353] : memref<2x327680xi32, #tpu.memory_space<hbm>> -> memref<1x1024xi32, #tpu.memory_space<hbm>>
          %dma_wait3A_355 = tpu.memref_squeeze %dma_wait3A_354 : memref<1x1024xi32, #tpu.memory_space<hbm>> -> memref<1024xi32, #tpu.memory_space<hbm>>
          tpu.wait_dma2 semaphore(%arg17 : memref<!tpu.dma_semaphore, #tpu.memory_space<semaphore_mem>>) src(%dma_wait3A_355 : memref<1024xi32, #tpu.memory_space<hbm>>) dst(%dma_wait3A_352 : memref<1024xi32, #tpu.memory_space<vmem>>)
          %dma_wait3A_356 = arith.constant 0 : i32
          %dma_wait3A_357 = arith.constant 0 : i32
          %dma_wait3A_358 = tpu.memref_slice %arg10[%select_n3A_342, %dma_wait3A_357] : memref<4x1024xi32, #tpu.memory_space<vmem>> -> memref<1x1024xi32, #tpu.memory_space<vmem>>
          %dma_wait3A_359 = tpu.memref_squeeze %dma_wait3A_358 : memref<1x1024xi32, #tpu.memory_space<vmem>> -> memref<1024xi32, #tpu.memory_space<vmem>>
          %dma_wait3A_360 = arith.constant 0 : i32
          %dma_wait3A_361 = tpu.memref_slice %arg3[%dma_wait3A_356, %dma_wait3A_360] : memref<2x327680xi32, #tpu.memory_space<hbm>> -> memref<1x1024xi32, #tpu.memory_space<hbm>>
          %dma_wait3A_362 = tpu.memref_squeeze %dma_wait3A_361 : memref<1x1024xi32, #tpu.memory_space<hbm>> -> memref<1024xi32, #tpu.memory_space<hbm>>
          %dma_wait3A_363 = arith.constant 0 : i32
          %dma_wait3A_364 = tpu.memref_slice %arg10[%select_n3A_342, %dma_wait3A_363] : memref<4x1024xi32, #tpu.memory_space<vmem>> -> memref<1x1024xi32, #tpu.memory_space<vmem>>
          %dma_wait3A_365 = tpu.memref_squeeze %dma_wait3A_364 : memref<1x1024xi32, #tpu.memory_space<vmem>> -> memref<1024xi32, #tpu.memory_space<vmem>>
          %dma_wait3A_366 = arith.constant 0 : i32
          %dma_wait3A_367 = tpu.memref_slice %arg3[%dma_wait3A_356, %dma_wait3A_366] : memref<2x327680xi32, #tpu.memory_space<hbm>> -> memref<1x1024xi32, #tpu.memory_space<hbm>>
          %dma_wait3A_368 = tpu.memref_squeeze %dma_wait3A_367 : memref<1x1024xi32, #tpu.memory_space<hbm>> -> memref<1024xi32, #tpu.memory_space<hbm>>
          tpu.wait_dma2 semaphore(%arg17 : memref<!tpu.dma_semaphore, #tpu.memory_space<semaphore_mem>>) src(%dma_wait3A_368 : memref<1024xi32, #tpu.memory_space<hbm>>) dst(%dma_wait3A_365 : memref<1024xi32, #tpu.memory_space<vmem>>)
          %dma_wait3A_369 = arith.constant 0 : i32
          %dma_wait3A_370 = tpu.memref_slice %arg11[%select_n3A_342, %dma_wait3A_369] : memref<4x1024xf32, #tpu.memory_space<vmem>> -> memref<1x1024xf32, #tpu.memory_space<vmem>>
          %dma_wait3A_371 = tpu.memref_squeeze %dma_wait3A_370 : memref<1x1024xf32, #tpu.memory_space<vmem>> -> memref<1024xf32, #tpu.memory_space<vmem>>
          %dma_wait3A_372 = arith.constant 0 : i32
          %dma_wait3A_373 = tpu.memref_slice %arg4[%dma_wait3A_372] : memref<327680xf32, #tpu.memory_space<hbm>> -> memref<1024xf32, #tpu.memory_space<hbm>>
          %dma_wait3A_374 = arith.constant 0 : i32
          %dma_wait3A_375 = tpu.memref_slice %arg11[%select_n3A_342, %dma_wait3A_374] : memref<4x1024xf32, #tpu.memory_space<vmem>> -> memref<1x1024xf32, #tpu.memory_space<vmem>>
          %dma_wait3A_376 = tpu.memref_squeeze %dma_wait3A_375 : memref<1x1024xf32, #tpu.memory_space<vmem>> -> memref<1024xf32, #tpu.memory_space<vmem>>
          %dma_wait3A_377 = arith.constant 0 : i32
          %dma_wait3A_378 = tpu.memref_slice %arg4[%dma_wait3A_377] : memref<327680xf32, #tpu.memory_space<hbm>> -> memref<1024xf32, #tpu.memory_space<hbm>>
          tpu.wait_dma2 semaphore(%arg17 : memref<!tpu.dma_semaphore, #tpu.memory_space<semaphore_mem>>) src(%dma_wait3A_378 : memref<1024xf32, #tpu.memory_space<hbm>>) dst(%dma_wait3A_376 : memref<1024xf32, #tpu.memory_space<vmem>>)
        } else {
        }
        %jit3A_262 = arith.constant 2 : i32
        %eq3A_263 = arith.constant 0 : i32
        %eq3A_264 = arith.cmpi eq, %jit3A_262, %eq3A_263 : i32
        %jit3A_265 = arith.constant 1 : i32
        %select_n3A_266 = arith.select %eq3A_264, %jit3A_265, %jit3A_262 : i32
        %rem3A_267 = arith.remsi %add3A_240, %select_n3A_266 : i32
        %ne3A_268 = arith.constant 0 : i32
        %ne3A_269 = arith.cmpi ne, %rem3A_267, %ne3A_268 : i32
        %lt3A_270 = arith.constant 0 : i32
        %lt3A_271 = arith.cmpi slt, %rem3A_267, %lt3A_270 : i32
        %lt3A_272 = arith.constant 0 : i32
        %lt3A_273 = arith.cmpi slt, %select_n3A_266, %lt3A_272 : i32
        %ne3A_274 = arith.xori %lt3A_271, %lt3A_273 : i1
        %and3A_275 = arith.andi %ne3A_274, %ne3A_269 : i1
        %add3A_276 = arith.addi %rem3A_267, %select_n3A_266 : i32
        %select_n3A_277 = arith.select %and3A_275, %add3A_276, %rem3A_267 : i32
        %eq3A_278 = arith.constant 1 : i32
        %eq3A_279 = arith.cmpi eq, %select_n3A_277, %eq3A_278 : i32
        %convert_element_type3A_280 = arith.extui %eq3A_279 : i1 to i32
        %cond3A_281 = arith.constant 0 : i32
        %cond3A_282 = arith.cmpi ne, %convert_element_type3A_280, %cond3A_281 : i32
        scf.if %cond3A_282 {
          %jit3A_327 = arith.constant 4 : i32
          %eq3A_328 = arith.constant 0 : i32
          %eq3A_329 = arith.cmpi eq, %jit3A_327, %eq3A_328 : i32
          %jit3A_330 = arith.constant 1 : i32
          %select_n3A_331 = arith.select %eq3A_329, %jit3A_330, %jit3A_327 : i32
          %rem3A_332 = arith.remsi %add3A_240, %select_n3A_331 : i32
          %ne3A_333 = arith.constant 0 : i32
          %ne3A_334 = arith.cmpi ne, %rem3A_332, %ne3A_333 : i32
          %lt3A_335 = arith.constant 0 : i32
          %lt3A_336 = arith.cmpi slt, %rem3A_332, %lt3A_335 : i32
          %lt3A_337 = arith.constant 0 : i32
          %lt3A_338 = arith.cmpi slt, %select_n3A_331, %lt3A_337 : i32
          %ne3A_339 = arith.xori %lt3A_336, %lt3A_338 : i1
          %and3A_340 = arith.andi %ne3A_339, %ne3A_334 : i1
          %add3A_341 = arith.addi %rem3A_332, %select_n3A_331 : i32
          %select_n3A_342 = arith.select %and3A_340, %add3A_341, %rem3A_332 : i32
          %dma_wait3A_343 = arith.constant 1 : i32
          %dma_wait3A_344 = arith.constant 0 : i32
          %dma_wait3A_345 = tpu.memref_slice %arg9[%select_n3A_342, %dma_wait3A_344] : memref<4x1024xi32, #tpu.memory_space<vmem>> -> memref<1x1024xi32, #tpu.memory_space<vmem>>
          %dma_wait3A_346 = tpu.memref_squeeze %dma_wait3A_345 : memref<1x1024xi32, #tpu.memory_space<vmem>> -> memref<1024xi32, #tpu.memory_space<vmem>>
          %dma_wait3A_347 = arith.constant 0 : i32
          %dma_wait3A_348 = tpu.memref_slice %arg3[%dma_wait3A_343, %dma_wait3A_347] : memref<2x327680xi32, #tpu.memory_space<hbm>> -> memref<1x1024xi32, #tpu.memory_space<hbm>>
          %dma_wait3A_349 = tpu.memref_squeeze %dma_wait3A_348 : memref<1x1024xi32, #tpu.memory_space<hbm>> -> memref<1024xi32, #tpu.memory_space<hbm>>
          %dma_wait3A_350 = arith.constant 0 : i32
          %dma_wait3A_351 = tpu.memref_slice %arg9[%select_n3A_342, %dma_wait3A_350] : memref<4x1024xi32, #tpu.memory_space<vmem>> -> memref<1x1024xi32, #tpu.memory_space<vmem>>
          %dma_wait3A_352 = tpu.memref_squeeze %dma_wait3A_351 : memref<1x1024xi32, #tpu.memory_space<vmem>> -> memref<1024xi32, #tpu.memory_space<vmem>>
          %dma_wait3A_353 = arith.constant 0 : i32
          %dma_wait3A_354 = tpu.memref_slice %arg3[%dma_wait3A_343, %dma_wait3A_353] : memref<2x327680xi32, #tpu.memory_space<hbm>> -> memref<1x1024xi32, #tpu.memory_space<hbm>>
          %dma_wait3A_355 = tpu.memref_squeeze %dma_wait3A_354 : memref<1x1024xi32, #tpu.memory_space<hbm>> -> memref<1024xi32, #tpu.memory_space<hbm>>
          tpu.wait_dma2 semaphore(%arg18 : memref<!tpu.dma_semaphore, #tpu.memory_space<semaphore_mem>>) src(%dma_wait3A_355 : memref<1024xi32, #tpu.memory_space<hbm>>) dst(%dma_wait3A_352 : memref<1024xi32, #tpu.memory_space<vmem>>)
          %dma_wait3A_356 = arith.constant 0 : i32
          %dma_wait3A_357 = arith.constant 0 : i32
          %dma_wait3A_358 = tpu.memref_slice %arg10[%select_n3A_342, %dma_wait3A_357] : memref<4x1024xi32, #tpu.memory_space<vmem>> -> memref<1x1024xi32, #tpu.memory_space<vmem>>
          %dma_wait3A_359 = tpu.memref_squeeze %dma_wait3A_358 : memref<1x1024xi32, #tpu.memory_space<vmem>> -> memref<1024xi32, #tpu.memory_space<vmem>>
          %dma_wait3A_360 = arith.constant 0 : i32
          %dma_wait3A_361 = tpu.memref_slice %arg3[%dma_wait3A_356, %dma_wait3A_360] : memref<2x327680xi32, #tpu.memory_space<hbm>> -> memref<1x1024xi32, #tpu.memory_space<hbm>>
          %dma_wait3A_362 = tpu.memref_squeeze %dma_wait3A_361 : memref<1x1024xi32, #tpu.memory_space<hbm>> -> memref<1024xi32, #tpu.memory_space<hbm>>
          %dma_wait3A_363 = arith.constant 0 : i32
          %dma_wait3A_364 = tpu.memref_slice %arg10[%select_n3A_342, %dma_wait3A_363] : memref<4x1024xi32, #tpu.memory_space<vmem>> -> memref<1x1024xi32, #tpu.memory_space<vmem>>
          %dma_wait3A_365 = tpu.memref_squeeze %dma_wait3A_364 : memref<1x1024xi32, #tpu.memory_space<vmem>> -> memref<1024xi32, #tpu.memory_space<vmem>>
          %dma_wait3A_366 = arith.constant 0 : i32
          %dma_wait3A_367 = tpu.memref_slice %arg3[%dma_wait3A_356, %dma_wait3A_366] : memref<2x327680xi32, #tpu.memory_space<hbm>> -> memref<1x1024xi32, #tpu.memory_space<hbm>>
          %dma_wait3A_368 = tpu.memref_squeeze %dma_wait3A_367 : memref<1x1024xi32, #tpu.memory_space<hbm>> -> memref<1024xi32, #tpu.memory_space<hbm>>
          tpu.wait_dma2 semaphore(%arg18 : memref<!tpu.dma_semaphore, #tpu.memory_space<semaphore_mem>>) src(%dma_wait3A_368 : memref<1024xi32, #tpu.memory_space<hbm>>) dst(%dma_wait3A_365 : memref<1024xi32, #tpu.memory_space<vmem>>)
          %dma_wait3A_369 = arith.constant 0 : i32
          %dma_wait3A_370 = tpu.memref_slice %arg11[%select_n3A_342, %dma_wait3A_369] : memref<4x1024xf32, #tpu.memory_space<vmem>> -> memref<1x1024xf32, #tpu.memory_space<vmem>>
          %dma_wait3A_371 = tpu.memref_squeeze %dma_wait3A_370 : memref<1x1024xf32, #tpu.memory_space<vmem>> -> memref<1024xf32, #tpu.memory_space<vmem>>
          %dma_wait3A_372 = arith.constant 0 : i32
          %dma_wait3A_373 = tpu.memref_slice %arg4[%dma_wait3A_372] : memref<327680xf32, #tpu.memory_space<hbm>> -> memref<1024xf32, #tpu.memory_space<hbm>>
          %dma_wait3A_374 = arith.constant 0 : i32
          %dma_wait3A_375 = tpu.memref_slice %arg11[%select_n3A_342, %dma_wait3A_374] : memref<4x1024xf32, #tpu.memory_space<vmem>> -> memref<1x1024xf32, #tpu.memory_space<vmem>>
          %dma_wait3A_376 = tpu.memref_squeeze %dma_wait3A_375 : memref<1x1024xf32, #tpu.memory_space<vmem>> -> memref<1024xf32, #tpu.memory_space<vmem>>
          %dma_wait3A_377 = arith.constant 0 : i32
          %dma_wait3A_378 = tpu.memref_slice %arg4[%dma_wait3A_377] : memref<327680xf32, #tpu.memory_space<hbm>> -> memref<1024xf32, #tpu.memory_space<hbm>>
          tpu.wait_dma2 semaphore(%arg18 : memref<!tpu.dma_semaphore, #tpu.memory_space<semaphore_mem>>) src(%dma_wait3A_378 : memref<1024xf32, #tpu.memory_space<hbm>>) dst(%dma_wait3A_376 : memref<1024xf32, #tpu.memory_space<vmem>>)
        } else {
        }
        %add3A_283 = arith.constant 1 : i32
        %add3A_284 = arith.addi %scan3A_108, %add3A_283 : i32
        %jit3A_285 = arith.constant 4 : i32
        %eq3A_286 = arith.constant 0 : i32
        %eq3A_287 = arith.cmpi eq, %jit3A_285, %eq3A_286 : i32
        %jit3A_288 = arith.constant 1 : i32
        %select_n3A_289 = arith.select %eq3A_287, %jit3A_288, %jit3A_285 : i32
        %rem3A_290 = arith.remsi %add3A_284, %select_n3A_289 : i32
        %ne3A_291 = arith.constant 0 : i32
        %ne3A_292 = arith.cmpi ne, %rem3A_290, %ne3A_291 : i32
        %lt3A_293 = arith.constant 0 : i32
        %lt3A_294 = arith.cmpi slt, %rem3A_290, %lt3A_293 : i32
        %lt3A_295 = arith.constant 0 : i32
        %lt3A_296 = arith.cmpi slt, %select_n3A_289, %lt3A_295 : i32
        %ne3A_297 = arith.xori %lt3A_294, %lt3A_296 : i1
        %and3A_298 = arith.andi %ne3A_297, %ne3A_292 : i1
        %add3A_299 = arith.addi %rem3A_290, %select_n3A_289 : i32
        %select_n3A_300 = arith.select %and3A_298, %add3A_299, %rem3A_290 : i32
        %jit3A_301 = arith.constant 2 : i32
        %eq3A_302 = arith.constant 0 : i32
        %eq3A_303 = arith.cmpi eq, %jit3A_301, %eq3A_302 : i32
        %jit3A_304 = arith.constant 1 : i32
        %select_n3A_305 = arith.select %eq3A_303, %jit3A_304, %jit3A_301 : i32
        %rem3A_306 = arith.remsi %add3A_284, %select_n3A_305 : i32
        %ne3A_307 = arith.constant 0 : i32
        %ne3A_308 = arith.cmpi ne, %rem3A_306, %ne3A_307 : i32
        %lt3A_309 = arith.constant 0 : i32
        %lt3A_310 = arith.cmpi slt, %rem3A_306, %lt3A_309 : i32
        %lt3A_311 = arith.constant 0 : i32
        %lt3A_312 = arith.cmpi slt, %select_n3A_305, %lt3A_311 : i32
        %ne3A_313 = arith.xori %lt3A_310, %lt3A_312 : i1
        %and3A_314 = arith.andi %ne3A_313, %ne3A_308 : i1
        %add3A_315 = arith.addi %rem3A_306, %select_n3A_305 : i32
        %select_n3A_316 = arith.select %and3A_314, %add3A_315, %rem3A_306 : i32
        %dma_start3A_317 = arith.constant 0 : i32
        %dma_start3A_318 = arith.constant 0 : i32
        %dma_start3A_319 = tpu.memref_slice %arg12[%select_n3A_316, %dma_start3A_317, %dma_start3A_318] : memref<2x1024x32xf32, #tpu.memory_space<vmem>> -> memref<1x1024x32xf32, #tpu.memory_space<vmem>>
        %dma_start3A_320 = tpu.memref_squeeze %dma_start3A_319 : memref<1x1024x32xf32, #tpu.memory_space<vmem>> -> memref<1024x32xf32, #tpu.memory_space<vmem>>
        %dma_start3A_321 = arith.constant 0 : i32
        %dma_start3A_322 = tpu.memref_slice %arg9[%select_n3A_300, %dma_start3A_321] : memref<4x1024xi32, #tpu.memory_space<vmem>> -> memref<1x1024xi32, #tpu.memory_space<vmem>>
        %dma_start3A_323 = tpu.memref_squeeze %dma_start3A_322 : memref<1x1024xi32, #tpu.memory_space<vmem>> -> memref<1024xi32, #tpu.memory_space<vmem>>
        %dma_start3A_324 = arith.constant 0 : i32
        %dma_start3A_325 = arith.constant 0 : i32
        %dma_start3A_326 = tpu.memref_slice %arg14[%dma_start3A_324, %dma_start3A_325] : memref<10000x32xf32, #tpu.memory_space<vmem_shared>> -> memref<10000x32xf32, #tpu.memory_space<vmem_shared>>
        tpu.enqueue_indirect_dma source(%dma_start3A_326 : memref<10000x32xf32, #tpu.memory_space<vmem_shared>>) target(%dma_start3A_320 : memref<1024x32xf32, #tpu.memory_space<vmem>>) offsets(%dma_start3A_323 : memref<1024xi32, #tpu.memory_space<vmem>>) semaphore(%arg15 : memref<!tpu.dma_semaphore, #tpu.memory_space<semaphore_mem>>)
      } else {
      }
      %jit3A_159 = arith.constant 2 : i32
      %eq3A_160 = arith.constant 0 : i32
      %eq3A_161 = arith.cmpi eq, %jit3A_159, %eq3A_160 : i32
      %jit3A_162 = arith.constant 1 : i32
      %select_n3A_163 = arith.select %eq3A_161, %jit3A_162, %jit3A_159 : i32
      %rem3A_164 = arith.remsi %scan3A_108, %select_n3A_163 : i32
      %ne3A_165 = arith.constant 0 : i32
      %ne3A_166 = arith.cmpi ne, %rem3A_164, %ne3A_165 : i32
      %lt3A_167 = arith.constant 0 : i32
      %lt3A_168 = arith.cmpi slt, %rem3A_164, %lt3A_167 : i32
      %lt3A_169 = arith.constant 0 : i32
      %lt3A_170 = arith.cmpi slt, %select_n3A_163, %lt3A_169 : i32
      %ne3A_171 = arith.xori %lt3A_168, %lt3A_170 : i1
      %and3A_172 = arith.andi %ne3A_171, %ne3A_166 : i1
      %add3A_173 = arith.addi %rem3A_164, %select_n3A_163 : i32
      %select_n3A_174 = arith.select %and3A_172, %add3A_173, %rem3A_164 : i32
      %jit3A_175 = arith.constant 4 : i32
      %eq3A_176 = arith.constant 0 : i32
      %eq3A_177 = arith.cmpi eq, %jit3A_175, %eq3A_176 : i32
      %jit3A_178 = arith.constant 1 : i32
      %select_n3A_179 = arith.select %eq3A_177, %jit3A_178, %jit3A_175 : i32
      %rem3A_180 = arith.remsi %scan3A_108, %select_n3A_179 : i32
      %ne3A_181 = arith.constant 0 : i32
      %ne3A_182 = arith.cmpi ne, %rem3A_180, %ne3A_181 : i32
      %lt3A_183 = arith.constant 0 : i32
      %lt3A_184 = arith.cmpi slt, %rem3A_180, %lt3A_183 : i32
      %lt3A_185 = arith.constant 0 : i32
      %lt3A_186 = arith.cmpi slt, %select_n3A_179, %lt3A_185 : i32
      %ne3A_187 = arith.xori %lt3A_184, %lt3A_186 : i1
      %and3A_188 = arith.andi %ne3A_187, %ne3A_182 : i1
      %add3A_189 = arith.addi %rem3A_180, %select_n3A_179 : i32
      %select_n3A_190 = arith.select %and3A_188, %add3A_189, %rem3A_180 : i32
      %scan3A_191 = arith.constant 0 : i32
      %scan3A_192 = arith.constant 0 : i32
      %scan3A_193 = arith.constant 64 : i32
      %scan3A_194 = arith.addi %scan3A_192, %scan3A_193 : i32
      %scan3A_195 = arith.constant 1 : i32
      scf.for %scan3A_239 = %scan3A_192 to %scan3A_194 step %scan3A_195  : i32 {
        %mul3A_240 = arith.constant 16 : i32
        %mul3A_241 = arith.muli %scan3A_239, %mul3A_240 : i32
        %get3A = arith.index_cast %select_n3A_190 : i32 to index
        %get3A_242 = arith.index_cast %mul3A_241 : i32 to index
        %get3A_243 = tpu.vector_load %arg11[%get3A, %get3A_242] {strides = array<i32>} : memref<4x1024xf32, #tpu.memory_space<vmem>>, vector<1x16xf32>,
        %get3A_244 = vector.shape_cast %get3A_243 : vector<1x16xf32> to vector<16xf32>
        %broadcast_in_dim3A = arith.constant 0 : i32
        %broadcast_in_dim3A_245 = vector.broadcast %broadcast_in_dim3A : i32 to vector<16x1xi32>
        %gather3A = vector.shape_cast %broadcast_in_dim3A_245 : vector<16x1xi32> to vector<16xi32>
        %gather3A_246 = tpu.dynamic_gather %get3A_244[%gather3A] in [0] : vector<16xf32>, vector<16xi32> -> vector<16xf32>
        %mul3A_247 = arith.constant 16 : i32
        %mul3A_248 = arith.muli %scan3A_239, %mul3A_247 : i32
        %add3A_249 = arith.constant 0 : i32
        %add3A_250 = arith.addi %mul3A_248, %add3A_249 : i32
        %get3A_251 = arith.index_cast %select_n3A_174 : i32 to index
        %get3A_252 = arith.index_cast %add3A_250 : i32 to index
        %get3A_253 = arith.constant 0 : index
        %get3A_254 = tpu.vector_load %arg12[%get3A_251, %get3A_252, %get3A_253] {strides = array<i32>} : memref<2x1024x32xf32, #tpu.memory_space<vmem>>, vector<1x1x16xf32>,
        %get3A_255 = vector.shape_cast %get3A_254 : vector<1x1x16xf32> to vector<16xf32>
        %mul3A_256 = arith.mulf %get3A_255, %gather3A_246 : vector<16xf32>
        %swap3A = arith.index_cast %select_n3A_174 : i32 to index
        %swap3A_257 = arith.index_cast %add3A_250 : i32 to index
        %swap3A_258 = arith.constant 0 : index
        %swap3A_259 = tpu.vector_load %arg12[%swap3A, %swap3A_257, %swap3A_258] {strides = array<i32>} : memref<2x1024x32xf32, #tpu.memory_space<vmem>>, vector<1x1x16xf32>,
        %swap3A_260 = vector.shape_cast %swap3A_259 : vector<1x1x16xf32> to vector<16xf32>
        %swap3A_261 = vector.shape_cast %mul3A_256 : vector<16xf32> to vector<1x1x16xf32>
        tpu.vector_store %arg12[%swap3A, %swap3A_257, %swap3A_258], %swap3A_261 {strides = array<i32>} : memref<2x1024x32xf32, #tpu.memory_space<vmem>>, vector<1x1x16xf32>,
        %get3A_262 = arith.index_cast %select_n3A_174 : i32 to index
        %get3A_263 = arith.index_cast %add3A_250 : i32 to index
        %get3A_264 = arith.constant 16 : index
        %get3A_265 = tpu.vector_load %arg12[%get3A_262, %get3A_263, %get3A_264] {strides = array<i32>} : memref<2x1024x32xf32, #tpu.memory_space<vmem>>, vector<1x1x16xf32>,
        %get3A_266 = vector.shape_cast %get3A_265 : vector<1x1x16xf32> to vector<16xf32>
        %mul3A_267 = arith.mulf %get3A_266, %gather3A_246 : vector<16xf32>
        %swap3A_268 = arith.index_cast %select_n3A_174 : i32 to index
        %swap3A_269 = arith.index_cast %add3A_250 : i32 to index
        %swap3A_270 = arith.constant 16 : index
        %swap3A_271 = tpu.vector_load %arg12[%swap3A_268, %swap3A_269, %swap3A_270] {strides = array<i32>} : memref<2x1024x32xf32, #tpu.memory_space<vmem>>, vector<1x1x16xf32>,
        %swap3A_272 = vector.shape_cast %swap3A_271 : vector<1x1x16xf32> to vector<16xf32>
        %swap3A_273 = vector.shape_cast %mul3A_267 : vector<16xf32> to vector<1x1x16xf32>
        tpu.vector_store %arg12[%swap3A_268, %swap3A_269, %swap3A_270], %swap3A_273 {strides = array<i32>} : memref<2x1024x32xf32, #tpu.memory_space<vmem>>, vector<1x1x16xf32>,
        %broadcast_in_dim3A_274 = arith.constant 1 : i32
        %broadcast_in_dim3A_275 = vector.broadcast %broadcast_in_dim3A_274 : i32 to vector<16x1xi32>
        %gather3A_276 = vector.shape_cast %broadcast_in_dim3A_275 : vector<16x1xi32> to vector<16xi32>
        %gather3A_277 = tpu.dynamic_gather %get3A_244[%gather3A_276] in [0] : vector<16xf32>, vector<16xi32> -> vector<16xf32>
        %mul3A_278 = arith.constant 16 : i32
        %mul3A_279 = arith.muli %scan3A_239, %mul3A_278 : i32
        %add3A_280 = arith.constant 1 : i32
        %add3A_281 = arith.addi %mul3A_279, %add3A_280 : i32
        %get3A_282 = arith.index_cast %select_n3A_174 : i32 to index
        %get3A_283 = arith.index_cast %add3A_281 : i32 to index
        %get3A_284 = arith.constant 0 : index
        %get3A_285 = tpu.vector_load %arg12[%get3A_282, %get3A_283, %get3A_284] {strides = array<i32>} : memref<2x1024x32xf32, #tpu.memory_space<vmem>>, vector<1x1x16xf32>,
        %get3A_286 = vector.shape_cast %get3A_285 : vector<1x1x16xf32> to vector<16xf32>
        %mul3A_287 = arith.mulf %get3A_286, %gather3A_277 : vector<16xf32>
        %swap3A_288 = arith.index_cast %select_n3A_174 : i32 to index
        %swap3A_289 = arith.index_cast %add3A_281 : i32 to index
        %swap3A_290 = arith.constant 0 : index
        %swap3A_291 = tpu.vector_load %arg12[%swap3A_288, %swap3A_289, %swap3A_290] {strides = array<i32>} : memref<2x1024x32xf32, #tpu.memory_space<vmem>>, vector<1x1x16xf32>,
        %swap3A_292 = vector.shape_cast %swap3A_291 : vector<1x1x16xf32> to vector<16xf32>
        %swap3A_293 = vector.shape_cast %mul3A_287 : vector<16xf32> to vector<1x1x16xf32>
        tpu.vector_store %arg12[%swap3A_288, %swap3A_289, %swap3A_290], %swap3A_293 {strides = array<i32>} : memref<2x1024x32xf32, #tpu.memory_space<vmem>>, vector<1x1x16xf32>,
        %get3A_294 = arith.index_cast %select_n3A_174 : i32 to index
        %get3A_295 = arith.index_cast %add3A_281 : i32 to index
        %get3A_296 = arith.constant 16 : index
        %get3A_297 = tpu.vector_load %arg12[%get3A_294, %get3A_295, %get3A_296] {strides = array<i32>} : memref<2x1024x32xf32, #tpu.memory_space<vmem>>, vector<1x1x16xf32>,
        %get3A_298 = vector.shape_cast %get3A_297 : vector<1x1x16xf32> to vector<16xf32>
        %mul3A_299 = arith.mulf %get3A_298, %gather3A_277 : vector<16xf32>
        %swap3A_300 = arith.index_cast %select_n3A_174 : i32 to index
        %swap3A_301 = arith.index_cast %add3A_281 : i32 to index
        %swap3A_302 = arith.constant 16 : index
        %swap3A_303 = tpu.vector_load %arg12[%swap3A_300, %swap3A_301, %swap3A_302] {strides = array<i32>} : memref<2x1024x32xf32, #tpu.memory_space<vmem>>, vector<1x1x16xf32>,
        %swap3A_304 = vector.shape_cast %swap3A_303 : vector<1x1x16xf32> to vector<16xf32>
        %swap3A_305 = vector.shape_cast %mul3A_299 : vector<16xf32> to vector<1x1x16xf32>
        tpu.vector_store %arg12[%swap3A_300, %swap3A_301, %swap3A_302], %swap3A_305 {strides = array<i32>} : memref<2x1024x32xf32, #tpu.memory_space<vmem>>, vector<1x1x16xf32>,
        %broadcast_in_dim3A_306 = arith.constant 2 : i32
        %broadcast_in_dim3A_307 = vector.broadcast %broadcast_in_dim3A_306 : i32 to vector<16x1xi32>
        %gather3A_308 = vector.shape_cast %broadcast_in_dim3A_307 : vector<16x1xi32> to vector<16xi32>
        %gather3A_309 = tpu.dynamic_gather %get3A_244[%gather3A_308] in [0] : vector<16xf32>, vector<16xi32> -> vector<16xf32>
        %mul3A_310 = arith.constant 16 : i32
        %mul3A_311 = arith.muli %scan3A_239, %mul3A_310 : i32
        %add3A_312 = arith.constant 2 : i32
        %add3A_313 = arith.addi %mul3A_311, %add3A_312 : i32
        %get3A_314 = arith.index_cast %select_n3A_174 : i32 to index
        %get3A_315 = arith.index_cast %add3A_313 : i32 to index
        %get3A_316 = arith.constant 0 : index
        %get3A_317 = tpu.vector_load %arg12[%get3A_314, %get3A_315, %get3A_316] {strides = array<i32>} : memref<2x1024x32xf32, #tpu.memory_space<vmem>>, vector<1x1x16xf32>,
        %get3A_318 = vector.shape_cast %get3A_317 : vector<1x1x16xf32> to vector<16xf32>
        %mul3A_319 = arith.mulf %get3A_318, %gather3A_309 : vector<16xf32>
        %swap3A_320 = arith.index_cast %select_n3A_174 : i32 to index
        %swap3A_321 = arith.index_cast %add3A_313 : i32 to index
        %swap3A_322 = arith.constant 0 : index
        %swap3A_323 = tpu.vector_load %arg12[%swap3A_320, %swap3A_321, %swap3A_322] {strides = array<i32>} : memref<2x1024x32xf32, #tpu.memory_space<vmem>>, vector<1x1x16xf32>,
        %swap3A_324 = vector.shape_cast %swap3A_323 : vector<1x1x16xf32> to vector<16xf32>
        %swap3A_325 = vector.shape_cast %mul3A_319 : vector<16xf32> to vector<1x1x16xf32>
        tpu.vector_store %arg12[%swap3A_320, %swap3A_321, %swap3A_322], %swap3A_325 {strides = array<i32>} : memref<2x1024x32xf32, #tpu.memory_space<vmem>>, vector<1x1x16xf32>,
        %get3A_326 = arith.index_cast %select_n3A_174 : i32 to index
        %get3A_327 = arith.index_cast %add3A_313 : i32 to index
        %get3A_328 = arith.constant 16 : index
        %get3A_329 = tpu.vector_load %arg12[%get3A_326, %get3A_327, %get3A_328] {strides = array<i32>} : memref<2x1024x32xf32, #tpu.memory_space<vmem>>, vector<1x1x16xf32>,
        %get3A_330 = vector.shape_cast %get3A_329 : vector<1x1x16xf32> to vector<16xf32>
        %mul3A_331 = arith.mulf %get3A_330, %gather3A_309 : vector<16xf32>
        %swap3A_332 = arith.index_cast %select_n3A_174 : i32 to index
        %swap3A_333 = arith.index_cast %add3A_313 : i32 to index
        %swap3A_334 = arith.constant 16 : index
        %swap3A_335 = tpu.vector_load %arg12[%swap3A_332, %swap3A_333, %swap3A_334] {strides = array<i32>} : memref<2x1024x32xf32, #tpu.memory_space<vmem>>, vector<1x1x16xf32>,
        %swap3A_336 = vector.shape_cast %swap3A_335 : vector<1x1x16xf32> to vector<16xf32>
        %swap3A_337 = vector.shape_cast %mul3A_331 : vector<16xf32> to vector<1x1x16xf32>
        tpu.vector_store %arg12[%swap3A_332, %swap3A_333, %swap3A_334], %swap3A_337 {strides = array<i32>} : memref<2x1024x32xf32, #tpu.memory_space<vmem>>, vector<1x1x16xf32>,
        %broadcast_in_dim3A_338 = arith.constant 3 : i32
        %broadcast_in_dim3A_339 = vector.broadcast %broadcast_in_dim3A_338 : i32 to vector<16x1xi32>
        %gather3A_340 = vector.shape_cast %broadcast_in_dim3A_339 : vector<16x1xi32> to vector<16xi32>
        %gather3A_341 = tpu.dynamic_gather %get3A_244[%gather3A_340] in [0] : vector<16xf32>, vector<16xi32> -> vector<16xf32>
        %mul3A_342 = arith.constant 16 : i32
        %mul3A_343 = arith.muli %scan3A_239, %mul3A_342 : i32
        %add3A_344 = arith.constant 3 : i32
        %add3A_345 = arith.addi %mul3A_343, %add3A_344 : i32
        %get3A_346 = arith.index_cast %select_n3A_174 : i32 to index
        %get3A_347 = arith.index_cast %add3A_345 : i32 to index
        %get3A_348 = arith.constant 0 : index
        %get3A_349 = tpu.vector_load %arg12[%get3A_346, %get3A_347, %get3A_348] {strides = array<i32>} : memref<2x1024x32xf32, #tpu.memory_space<vmem>>, vector<1x1x16xf32>,
        %get3A_350 = vector.shape_cast %get3A_349 : vector<1x1x16xf32> to vector<16xf32>
        %mul3A_351 = arith.mulf %get3A_350, %gather3A_341 : vector<16xf32>
        %swap3A_352 = arith.index_cast %select_n3A_174 : i32 to index
        %swap3A_353 = arith.index_cast %add3A_345 : i32 to index
        %swap3A_354 = arith.constant 0 : index
        %swap3A_355 = tpu.vector_load %arg12[%swap3A_352, %swap3A_353, %swap3A_354] {strides = array<i32>} : memref<2x1024x32xf32, #tpu.memory_space<vmem>>, vector<1x1x16xf32>,
        %swap3A_356 = vector.shape_cast %swap3A_355 : vector<1x1x16xf32> to vector<16xf32>
        %swap3A_357 = vector.shape_cast %mul3A_351 : vector<16xf32> to vector<1x1x16xf32>
        tpu.vector_store %arg12[%swap3A_352, %swap3A_353, %swap3A_354], %swap3A_357 {strides = array<i32>} : memref<2x1024x32xf32, #tpu.memory_space<vmem>>, vector<1x1x16xf32>,
        %get3A_358 = arith.index_cast %select_n3A_174 : i32 to index
        %get3A_359 = arith.index_cast %add3A_345 : i32 to index
        %get3A_360 = arith.constant 16 : index
        %get3A_361 = tpu.vector_load %arg12[%get3A_358, %get3A_359, %get3A_360] {strides = array<i32>} : memref<2x1024x32xf32, #tpu.memory_space<vmem>>, vector<1x1x16xf32>,
        %get3A_362 = vector.shape_cast %get3A_361 : vector<1x1x16xf32> to vector<16xf32>
        %mul3A_363 = arith.mulf %get3A_362, %gather3A_341 : vector<16xf32>
        %swap3A_364 = arith.index_cast %select_n3A_174 : i32 to index
        %swap3A_365 = arith.index_cast %add3A_345 : i32 to index
        %swap3A_366 = arith.constant 16 : index
        %swap3A_367 = tpu.vector_load %arg12[%swap3A_364, %swap3A_365, %swap3A_366] {strides = array<i32>} : memref<2x1024x32xf32, #tpu.memory_space<vmem>>, vector<1x1x16xf32>,
        %swap3A_368 = vector.shape_cast %swap3A_367 : vector<1x1x16xf32> to vector<16xf32>
        %swap3A_369 = vector.shape_cast %mul3A_363 : vector<16xf32> to vector<1x1x16xf32>
        tpu.vector_store %arg12[%swap3A_364, %swap3A_365, %swap3A_366], %swap3A_369 {strides = array<i32>} : memref<2x1024x32xf32, #tpu.memory_space<vmem>>, vector<1x1x16xf32>,
        %broadcast_in_dim3A_370 = arith.constant 4 : i32
        %broadcast_in_dim3A_371 = vector.broadcast %broadcast_in_dim3A_370 : i32 to vector<16x1xi32>
        %gather3A_372 = vector.shape_cast %broadcast_in_dim3A_371 : vector<16x1xi32> to vector<16xi32>
        %gather3A_373 = tpu.dynamic_gather %get3A_244[%gather3A_372] in [0] : vector<16xf32>, vector<16xi32> -> vector<16xf32>
        %mul3A_374 = arith.constant 16 : i32
        %mul3A_375 = arith.muli %scan3A_239, %mul3A_374 : i32
        %add3A_376 = arith.constant 4 : i32
        %add3A_377 = arith.addi %mul3A_375, %add3A_376 : i32
        %get3A_378 = arith.index_cast %select_n3A_174 : i32 to index
        %get3A_379 = arith.index_cast %add3A_377 : i32 to index
        %get3A_380 = arith.constant 0 : index
        %get3A_381 = tpu.vector_load %arg12[%get3A_378, %get3A_379, %get3A_380] {strides = array<i32>} : memref<2x1024x32xf32, #tpu.memory_space<vmem>>, vector<1x1x16xf32>,
        %get3A_382 = vector.shape_cast %get3A_381 : vector<1x1x16xf32> to vector<16xf32>
        %mul3A_383 = arith.mulf %get3A_382, %gather3A_373 : vector<16xf32>
        %swap3A_384 = arith.index_cast %select_n3A_174 : i32 to index
        %swap3A_385 = arith.index_cast %add3A_377 : i32 to index
        %swap3A_386 = arith.constant 0 : index
        %swap3A_387 = tpu.vector_load %arg12[%swap3A_384, %swap3A_385, %swap3A_386] {strides = array<i32>} : memref<2x1024x32xf32, #tpu.memory_space<vmem>>, vector<1x1x16xf32>,
        %swap3A_388 = vector.shape_cast %swap3A_387 : vector<1x1x16xf32> to vector<16xf32>
        %swap3A_389 = vector.shape_cast %mul3A_383 : vector<16xf32> to vector<1x1x16xf32>
        tpu.vector_store %arg12[%swap3A_384, %swap3A_385, %swap3A_386], %swap3A_389 {strides = array<i32>} : memref<2x1024x32xf32, #tpu.memory_space<vmem>>, vector<1x1x16xf32>,
        %get3A_390 = arith.index_cast %select_n3A_174 : i32 to index
        %get3A_391 = arith.index_cast %add3A_377 : i32 to index
        %get3A_392 = arith.constant 16 : index
        %get3A_393 = tpu.vector_load %arg12[%get3A_390, %get3A_391, %get3A_392] {strides = array<i32>} : memref<2x1024x32xf32, #tpu.memory_space<vmem>>, vector<1x1x16xf32>,
        %get3A_394 = vector.shape_cast %get3A_393 : vector<1x1x16xf32> to vector<16xf32>
        %mul3A_395 = arith.mulf %get3A_394, %gather3A_373 : vector<16xf32>
        %swap3A_396 = arith.index_cast %select_n3A_174 : i32 to index
        %swap3A_397 = arith.index_cast %add3A_377 : i32 to index
        %swap3A_398 = arith.constant 16 : index
        %swap3A_399 = tpu.vector_load %arg12[%swap3A_396, %swap3A_397, %swap3A_398] {strides = array<i32>} : memref<2x1024x32xf32, #tpu.memory_space<vmem>>, vector<1x1x16xf32>,
        %swap3A_400 = vector.shape_cast %swap3A_399 : vector<1x1x16xf32> to vector<16xf32>
        %swap3A_401 = vector.shape_cast %mul3A_395 : vector<16xf32> to vector<1x1x16xf32>
        tpu.vector_store %arg12[%swap3A_396, %swap3A_397, %swap3A_398], %swap3A_401 {strides = array<i32>} : memref<2x1024x32xf32, #tpu.memory_space<vmem>>, vector<1x1x16xf32>,
        %broadcast_in_dim3A_402 = arith.constant 5 : i32
        %broadcast_in_dim3A_403 = vector.broadcast %broadcast_in_dim3A_402 : i32 to vector<16x1xi32>
        %gather3A_404 = vector.shape_cast %broadcast_in_dim3A_403 : vector<16x1xi32> to vector<16xi32>
        %gather3A_405 = tpu.dynamic_gather %get3A_244[%gather3A_404] in [0] : vector<16xf32>, vector<16xi32> -> vector<16xf32>
        %mul3A_406 = arith.constant 16 : i32
        %mul3A_407 = arith.muli %scan3A_239, %mul3A_406 : i32
        %add3A_408 = arith.constant 5 : i32
        %add3A_409 = arith.addi %mul3A_407, %add3A_408 : i32
        %get3A_410 = arith.index_cast %select_n3A_174 : i32 to index
        %get3A_411 = arith.index_cast %add3A_409 : i32 to index
        %get3A_412 = arith.constant 0 : index
        %get3A_413 = tpu.vector_load %arg12[%get3A_410, %get3A_411, %get3A_412] {strides = array<i32>} : memref<2x1024x32xf32, #tpu.memory_space<vmem>>, vector<1x1x16xf32>,
        %get3A_414 = vector.shape_cast %get3A_413 : vector<1x1x16xf32> to vector<16xf32>
        %mul3A_415 = arith.mulf %get3A_414, %gather3A_405 : vector<16xf32>
        %swap3A_416 = arith.index_cast %select_n3A_174 : i32 to index
        %swap3A_417 = arith.index_cast %add3A_409 : i32 to index
        %swap3A_418 = arith.constant 0 : index
        %swap3A_419 = tpu.vector_load %arg12[%swap3A_416, %swap3A_417, %swap3A_418] {strides = array<i32>} : memref<2x1024x32xf32, #tpu.memory_space<vmem>>, vector<1x1x16xf32>,
        %swap3A_420 = vector.shape_cast %swap3A_419 : vector<1x1x16xf32> to vector<16xf32>
        %swap3A_421 = vector.shape_cast %mul3A_415 : vector<16xf32> to vector<1x1x16xf32>
        tpu.vector_store %arg12[%swap3A_416, %swap3A_417, %swap3A_418], %swap3A_421 {strides = array<i32>} : memref<2x1024x32xf32, #tpu.memory_space<vmem>>, vector<1x1x16xf32>,
        %get3A_422 = arith.index_cast %select_n3A_174 : i32 to index
        %get3A_423 = arith.index_cast %add3A_409 : i32 to index
        %get3A_424 = arith.constant 16 : index
        %get3A_425 = tpu.vector_load %arg12[%get3A_422, %get3A_423, %get3A_424] {strides = array<i32>} : memref<2x1024x32xf32, #tpu.memory_space<vmem>>, vector<1x1x16xf32>,
        %get3A_426 = vector.shape_cast %get3A_425 : vector<1x1x16xf32> to vector<16xf32>
        %mul3A_427 = arith.mulf %get3A_426, %gather3A_405 : vector<16xf32>
        %swap3A_428 = arith.index_cast %select_n3A_174 : i32 to index
        %swap3A_429 = arith.index_cast %add3A_409 : i32 to index
        %swap3A_430 = arith.constant 16 : index
        %swap3A_431 = tpu.vector_load %arg12[%swap3A_428, %swap3A_429, %swap3A_430] {strides = array<i32>} : memref<2x1024x32xf32, #tpu.memory_space<vmem>>, vector<1x1x16xf32>,
        %swap3A_432 = vector.shape_cast %swap3A_431 : vector<1x1x16xf32> to vector<16xf32>
        %swap3A_433 = vector.shape_cast %mul3A_427 : vector<16xf32> to vector<1x1x16xf32>
        tpu.vector_store %arg12[%swap3A_428, %swap3A_429, %swap3A_430], %swap3A_433 {strides = array<i32>} : memref<2x1024x32xf32, #tpu.memory_space<vmem>>, vector<1x1x16xf32>,
        %broadcast_in_dim3A_434 = arith.constant 6 : i32
        %broadcast_in_dim3A_435 = vector.broadcast %broadcast_in_dim3A_434 : i32 to vector<16x1xi32>
        %gather3A_436 = vector.shape_cast %broadcast_in_dim3A_435 : vector<16x1xi32> to vector<16xi32>
        %gather3A_437 = tpu.dynamic_gather %get3A_244[%gather3A_436] in [0] : vector<16xf32>, vector<16xi32> -> vector<16xf32>
        %mul3A_438 = arith.constant 16 : i32
        %mul3A_439 = arith.muli %scan3A_239, %mul3A_438 : i32
        %add3A_440 = arith.constant 6 : i32
        %add3A_441 = arith.addi %mul3A_439, %add3A_440 : i32
        %get3A_442 = arith.index_cast %select_n3A_174 : i32 to index
        %get3A_443 = arith.index_cast %add3A_441 : i32 to index
        %get3A_444 = arith.constant 0 : index
        %get3A_445 = tpu.vector_load %arg12[%get3A_442, %get3A_443, %get3A_444] {strides = array<i32>} : memref<2x1024x32xf32, #tpu.memory_space<vmem>>, vector<1x1x16xf32>,
        %get3A_446 = vector.shape_cast %get3A_445 : vector<1x1x16xf32> to vector<16xf32>
        %mul3A_447 = arith.mulf %get3A_446, %gather3A_437 : vector<16xf32>
        %swap3A_448 = arith.index_cast %select_n3A_174 : i32 to index
        %swap3A_449 = arith.index_cast %add3A_441 : i32 to index
        %swap3A_450 = arith.constant 0 : index
        %swap3A_451 = tpu.vector_load %arg12[%swap3A_448, %swap3A_449, %swap3A_450] {strides = array<i32>} : memref<2x1024x32xf32, #tpu.memory_space<vmem>>, vector<1x1x16xf32>,
        %swap3A_452 = vector.shape_cast %swap3A_451 : vector<1x1x16xf32> to vector<16xf32>
        %swap3A_453 = vector.shape_cast %mul3A_447 : vector<16xf32> to vector<1x1x16xf32>
        tpu.vector_store %arg12[%swap3A_448, %swap3A_449, %swap3A_450], %swap3A_453 {strides = array<i32>} : memref<2x1024x32xf32, #tpu.memory_space<vmem>>, vector<1x1x16xf32>,
        %get3A_454 = arith.index_cast %select_n3A_174 : i32 to index
        %get3A_455 = arith.index_cast %add3A_441 : i32 to index
        %get3A_456 = arith.constant 16 : index
        %get3A_457 = tpu.vector_load %arg12[%get3A_454, %get3A_455, %get3A_456] {strides = array<i32>} : memref<2x1024x32xf32, #tpu.memory_space<vmem>>, vector<1x1x16xf32>,
        %get3A_458 = vector.shape_cast %get3A_457 : vector<1x1x16xf32> to vector<16xf32>
        %mul3A_459 = arith.mulf %get3A_458, %gather3A_437 : vector<16xf32>
        %swap3A_460 = arith.index_cast %select_n3A_174 : i32 to index
        %swap3A_461 = arith.index_cast %add3A_441 : i32 to index
        %swap3A_462 = arith.constant 16 : index
        %swap3A_463 = tpu.vector_load %arg12[%swap3A_460, %swap3A_461, %swap3A_462] {strides = array<i32>} : memref<2x1024x32xf32, #tpu.memory_space<vmem>>, vector<1x1x16xf32>,
        %swap3A_464 = vector.shape_cast %swap3A_463 : vector<1x1x16xf32> to vector<16xf32>
        %swap3A_465 = vector.shape_cast %mul3A_459 : vector<16xf32> to vector<1x1x16xf32>
        tpu.vector_store %arg12[%swap3A_460, %swap3A_461, %swap3A_462], %swap3A_465 {strides = array<i32>} : memref<2x1024x32xf32, #tpu.memory_space<vmem>>, vector<1x1x16xf32>,
        %broadcast_in_dim3A_466 = arith.constant 7 : i32
        %broadcast_in_dim3A_467 = vector.broadcast %broadcast_in_dim3A_466 : i32 to vector<16x1xi32>
        %gather3A_468 = vector.shape_cast %broadcast_in_dim3A_467 : vector<16x1xi32> to vector<16xi32>
        %gather3A_469 = tpu.dynamic_gather %get3A_244[%gather3A_468] in [0] : vector<16xf32>, vector<16xi32> -> vector<16xf32>
        %mul3A_470 = arith.constant 16 : i32
        %mul3A_471 = arith.muli %scan3A_239, %mul3A_470 : i32
        %add3A_472 = arith.constant 7 : i32
        %add3A_473 = arith.addi %mul3A_471, %add3A_472 : i32
        %get3A_474 = arith.index_cast %select_n3A_174 : i32 to index
        %get3A_475 = arith.index_cast %add3A_473 : i32 to index
        %get3A_476 = arith.constant 0 : index
        %get3A_477 = tpu.vector_load %arg12[%get3A_474, %get3A_475, %get3A_476] {strides = array<i32>} : memref<2x1024x32xf32, #tpu.memory_space<vmem>>, vector<1x1x16xf32>,
        %get3A_478 = vector.shape_cast %get3A_477 : vector<1x1x16xf32> to vector<16xf32>
        %mul3A_479 = arith.mulf %get3A_478, %gather3A_469 : vector<16xf32>
        %swap3A_480 = arith.index_cast %select_n3A_174 : i32 to index
        %swap3A_481 = arith.index_cast %add3A_473 : i32 to index
        %swap3A_482 = arith.constant 0 : index
        %swap3A_483 = tpu.vector_load %arg12[%swap3A_480, %swap3A_481, %swap3A_482] {strides = array<i32>} : memref<2x1024x32xf32, #tpu.memory_space<vmem>>, vector<1x1x16xf32>,
        %swap3A_484 = vector.shape_cast %swap3A_483 : vector<1x1x16xf32> to vector<16xf32>
        %swap3A_485 = vector.shape_cast %mul3A_479 : vector<16xf32> to vector<1x1x16xf32>
        tpu.vector_store %arg12[%swap3A_480, %swap3A_481, %swap3A_482], %swap3A_485 {strides = array<i32>} : memref<2x1024x32xf32, #tpu.memory_space<vmem>>, vector<1x1x16xf32>,
        %get3A_486 = arith.index_cast %select_n3A_174 : i32 to index
        %get3A_487 = arith.index_cast %add3A_473 : i32 to index
        %get3A_488 = arith.constant 16 : index
        %get3A_489 = tpu.vector_load %arg12[%get3A_486, %get3A_487, %get3A_488] {strides = array<i32>} : memref<2x1024x32xf32, #tpu.memory_space<vmem>>, vector<1x1x16xf32>,
        %get3A_490 = vector.shape_cast %get3A_489 : vector<1x1x16xf32> to vector<16xf32>
        %mul3A_491 = arith.mulf %get3A_490, %gather3A_469 : vector<16xf32>
        %swap3A_492 = arith.index_cast %select_n3A_174 : i32 to index
        %swap3A_493 = arith.index_cast %add3A_473 : i32 to index
        %swap3A_494 = arith.constant 16 : index
        %swap3A_495 = tpu.vector_load %arg12[%swap3A_492, %swap3A_493, %swap3A_494] {strides = array<i32>} : memref<2x1024x32xf32, #tpu.memory_space<vmem>>, vector<1x1x16xf32>,
        %swap3A_496 = vector.shape_cast %swap3A_495 : vector<1x1x16xf32> to vector<16xf32>
        %swap3A_497 = vector.shape_cast %mul3A_491 : vector<16xf32> to vector<1x1x16xf32>
        tpu.vector_store %arg12[%swap3A_492, %swap3A_493, %swap3A_494], %swap3A_497 {strides = array<i32>} : memref<2x1024x32xf32, #tpu.memory_space<vmem>>, vector<1x1x16xf32>,
        %broadcast_in_dim3A_498 = arith.constant 8 : i32
        %broadcast_in_dim3A_499 = vector.broadcast %broadcast_in_dim3A_498 : i32 to vector<16x1xi32>
        %gather3A_500 = vector.shape_cast %broadcast_in_dim3A_499 : vector<16x1xi32> to vector<16xi32>
        %gather3A_501 = tpu.dynamic_gather %get3A_244[%gather3A_500] in [0] : vector<16xf32>, vector<16xi32> -> vector<16xf32>
        %mul3A_502 = arith.constant 16 : i32
        %mul3A_503 = arith.muli %scan3A_239, %mul3A_502 : i32
        %add3A_504 = arith.constant 8 : i32
        %add3A_505 = arith.addi %mul3A_503, %add3A_504 : i32
        %get3A_506 = arith.index_cast %select_n3A_174 : i32 to index
        %get3A_507 = arith.index_cast %add3A_505 : i32 to index
        %get3A_508 = arith.constant 0 : index
        %get3A_509 = tpu.vector_load %arg12[%get3A_506, %get3A_507, %get3A_508] {strides = array<i32>} : memref<2x1024x32xf32, #tpu.memory_space<vmem>>, vector<1x1x16xf32>,
        %get3A_510 = vector.shape_cast %get3A_509 : vector<1x1x16xf32> to vector<16xf32>
        %mul3A_511 = arith.mulf %get3A_510, %gather3A_501 : vector<16xf32>
        %swap3A_512 = arith.index_cast %select_n3A_174 : i32 to index
        %swap3A_513 = arith.index_cast %add3A_505 : i32 to index
        %swap3A_514 = arith.constant 0 : index
        %swap3A_515 = tpu.vector_load %arg12[%swap3A_512, %swap3A_513, %swap3A_514] {strides = array<i32>} : memref<2x1024x32xf32, #tpu.memory_space<vmem>>, vector<1x1x16xf32>,
        %swap3A_516 = vector.shape_cast %swap3A_515 : vector<1x1x16xf32> to vector<16xf32>
        %swap3A_517 = vector.shape_cast %mul3A_511 : vector<16xf32> to vector<1x1x16xf32>
        tpu.vector_store %arg12[%swap3A_512, %swap3A_513, %swap3A_514], %swap3A_517 {strides = array<i32>} : memref<2x1024x32xf32, #tpu.memory_space<vmem>>, vector<1x1x16xf32>,
        %get3A_518 = arith.index_cast %select_n3A_174 : i32 to index
        %get3A_519 = arith.index_cast %add3A_505 : i32 to index
        %get3A_520 = arith.constant 16 : index
        %get3A_521 = tpu.vector_load %arg12[%get3A_518, %get3A_519, %get3A_520] {strides = array<i32>} : memref<2x1024x32xf32, #tpu.memory_space<vmem>>, vector<1x1x16xf32>,
        %get3A_522 = vector.shape_cast %get3A_521 : vector<1x1x16xf32> to vector<16xf32>
        %mul3A_523 = arith.mulf %get3A_522, %gather3A_501 : vector<16xf32>
        %swap3A_524 = arith.index_cast %select_n3A_174 : i32 to index
        %swap3A_525 = arith.index_cast %add3A_505 : i32 to index
        %swap3A_526 = arith.constant 16 : index
        %swap3A_527 = tpu.vector_load %arg12[%swap3A_524, %swap3A_525, %swap3A_526] {strides = array<i32>} : memref<2x1024x32xf32, #tpu.memory_space<vmem>>, vector<1x1x16xf32>,
        %swap3A_528 = vector.shape_cast %swap3A_527 : vector<1x1x16xf32> to vector<16xf32>
        %swap3A_529 = vector.shape_cast %mul3A_523 : vector<16xf32> to vector<1x1x16xf32>
        tpu.vector_store %arg12[%swap3A_524, %swap3A_525, %swap3A_526], %swap3A_529 {strides = array<i32>} : memref<2x1024x32xf32, #tpu.memory_space<vmem>>, vector<1x1x16xf32>,
        %broadcast_in_dim3A_530 = arith.constant 9 : i32
        %broadcast_in_dim3A_531 = vector.broadcast %broadcast_in_dim3A_530 : i32 to vector<16x1xi32>
        %gather3A_532 = vector.shape_cast %broadcast_in_dim3A_531 : vector<16x1xi32> to vector<16xi32>
        %gather3A_533 = tpu.dynamic_gather %get3A_244[%gather3A_532] in [0] : vector<16xf32>, vector<16xi32> -> vector<16xf32>
        %mul3A_534 = arith.constant 16 : i32
        %mul3A_535 = arith.muli %scan3A_239, %mul3A_534 : i32
        %add3A_536 = arith.constant 9 : i32
        %add3A_537 = arith.addi %mul3A_535, %add3A_536 : i32
        %get3A_538 = arith.index_cast %select_n3A_174 : i32 to index
        %get3A_539 = arith.index_cast %add3A_537 : i32 to index
        %get3A_540 = arith.constant 0 : index
        %get3A_541 = tpu.vector_load %arg12[%get3A_538, %get3A_539, %get3A_540] {strides = array<i32>} : memref<2x1024x32xf32, #tpu.memory_space<vmem>>, vector<1x1x16xf32>,
        %get3A_542 = vector.shape_cast %get3A_541 : vector<1x1x16xf32> to vector<16xf32>
        %mul3A_543 = arith.mulf %get3A_542, %gather3A_533 : vector<16xf32>
        %swap3A_544 = arith.index_cast %select_n3A_174 : i32 to index
        %swap3A_545 = arith.index_cast %add3A_537 : i32 to index
        %swap3A_546 = arith.constant 0 : index
        %swap3A_547 = tpu.vector_load %arg12[%swap3A_544, %swap3A_545, %swap3A_546] {strides = array<i32>} : memref<2x1024x32xf32, #tpu.memory_space<vmem>>, vector<1x1x16xf32>,
        %swap3A_548 = vector.shape_cast %swap3A_547 : vector<1x1x16xf32> to vector<16xf32>
        %swap3A_549 = vector.shape_cast %mul3A_543 : vector<16xf32> to vector<1x1x16xf32>
        tpu.vector_store %arg12[%swap3A_544, %swap3A_545, %swap3A_546], %swap3A_549 {strides = array<i32>} : memref<2x1024x32xf32, #tpu.memory_space<vmem>>, vector<1x1x16xf32>,
        %get3A_550 = arith.index_cast %select_n3A_174 : i32 to index
        %get3A_551 = arith.index_cast %add3A_537 : i32 to index
        %get3A_552 = arith.constant 16 : index
        %get3A_553 = tpu.vector_load %arg12[%get3A_550, %get3A_551, %get3A_552] {strides = array<i32>} : memref<2x1024x32xf32, #tpu.memory_space<vmem>>, vector<1x1x16xf32>,
        %get3A_554 = vector.shape_cast %get3A_553 : vector<1x1x16xf32> to vector<16xf32>
        %mul3A_555 = arith.mulf %get3A_554, %gather3A_533 : vector<16xf32>
        %swap3A_556 = arith.index_cast %select_n3A_174 : i32 to index
        %swap3A_557 = arith.index_cast %add3A_537 : i32 to index
        %swap3A_558 = arith.constant 16 : index
        %swap3A_559 = tpu.vector_load %arg12[%swap3A_556, %swap3A_557, %swap3A_558] {strides = array<i32>} : memref<2x1024x32xf32, #tpu.memory_space<vmem>>, vector<1x1x16xf32>,
        %swap3A_560 = vector.shape_cast %swap3A_559 : vector<1x1x16xf32> to vector<16xf32>
        %swap3A_561 = vector.shape_cast %mul3A_555 : vector<16xf32> to vector<1x1x16xf32>
        tpu.vector_store %arg12[%swap3A_556, %swap3A_557, %swap3A_558], %swap3A_561 {strides = array<i32>} : memref<2x1024x32xf32, #tpu.memory_space<vmem>>, vector<1x1x16xf32>,
        %broadcast_in_dim3A_562 = arith.constant 10 : i32
        %broadcast_in_dim3A_563 = vector.broadcast %broadcast_in_dim3A_562 : i32 to vector<16x1xi32>
        %gather3A_564 = vector.shape_cast %broadcast_in_dim3A_563 : vector<16x1xi32> to vector<16xi32>
        %gather3A_565 = tpu.dynamic_gather %get3A_244[%gather3A_564] in [0] : vector<16xf32>, vector<16xi32> -> vector<16xf32>
        %mul3A_566 = arith.constant 16 : i32
        %mul3A_567 = arith.muli %scan3A_239, %mul3A_566 : i32
        %add3A_568 = arith.constant 10 : i32
        %add3A_569 = arith.addi %mul3A_567, %add3A_568 : i32
        %get3A_570 = arith.index_cast %select_n3A_174 : i32 to index
        %get3A_571 = arith.index_cast %add3A_569 : i32 to index
        %get3A_572 = arith.constant 0 : index
        %get3A_573 = tpu.vector_load %arg12[%get3A_570, %get3A_571, %get3A_572] {strides = array<i32>} : memref<2x1024x32xf32, #tpu.memory_space<vmem>>, vector<1x1x16xf32>,
        %get3A_574 = vector.shape_cast %get3A_573 : vector<1x1x16xf32> to vector<16xf32>
        %mul3A_575 = arith.mulf %get3A_574, %gather3A_565 : vector<16xf32>
        %swap3A_576 = arith.index_cast %select_n3A_174 : i32 to index
        %swap3A_577 = arith.index_cast %add3A_569 : i32 to index
        %swap3A_578 = arith.constant 0 : index
        %swap3A_579 = tpu.vector_load %arg12[%swap3A_576, %swap3A_577, %swap3A_578] {strides = array<i32>} : memref<2x1024x32xf32, #tpu.memory_space<vmem>>, vector<1x1x16xf32>,
        %swap3A_580 = vector.shape_cast %swap3A_579 : vector<1x1x16xf32> to vector<16xf32>
        %swap3A_581 = vector.shape_cast %mul3A_575 : vector<16xf32> to vector<1x1x16xf32>
        tpu.vector_store %arg12[%swap3A_576, %swap3A_577, %swap3A_578], %swap3A_581 {strides = array<i32>} : memref<2x1024x32xf32, #tpu.memory_space<vmem>>, vector<1x1x16xf32>,
        %get3A_582 = arith.index_cast %select_n3A_174 : i32 to index
        %get3A_583 = arith.index_cast %add3A_569 : i32 to index
        %get3A_584 = arith.constant 16 : index
        %get3A_585 = tpu.vector_load %arg12[%get3A_582, %get3A_583, %get3A_584] {strides = array<i32>} : memref<2x1024x32xf32, #tpu.memory_space<vmem>>, vector<1x1x16xf32>,
        %get3A_586 = vector.shape_cast %get3A_585 : vector<1x1x16xf32> to vector<16xf32>
        %mul3A_587 = arith.mulf %get3A_586, %gather3A_565 : vector<16xf32>
        %swap3A_588 = arith.index_cast %select_n3A_174 : i32 to index
        %swap3A_589 = arith.index_cast %add3A_569 : i32 to index
        %swap3A_590 = arith.constant 16 : index
        %swap3A_591 = tpu.vector_load %arg12[%swap3A_588, %swap3A_589, %swap3A_590] {strides = array<i32>} : memref<2x1024x32xf32, #tpu.memory_space<vmem>>, vector<1x1x16xf32>,
        %swap3A_592 = vector.shape_cast %swap3A_591 : vector<1x1x16xf32> to vector<16xf32>
        %swap3A_593 = vector.shape_cast %mul3A_587 : vector<16xf32> to vector<1x1x16xf32>
        tpu.vector_store %arg12[%swap3A_588, %swap3A_589, %swap3A_590], %swap3A_593 {strides = array<i32>} : memref<2x1024x32xf32, #tpu.memory_space<vmem>>, vector<1x1x16xf32>,
        %broadcast_in_dim3A_594 = arith.constant 11 : i32
        %broadcast_in_dim3A_595 = vector.broadcast %broadcast_in_dim3A_594 : i32 to vector<16x1xi32>
        %gather3A_596 = vector.shape_cast %broadcast_in_dim3A_595 : vector<16x1xi32> to vector<16xi32>
        %gather3A_597 = tpu.dynamic_gather %get3A_244[%gather3A_596] in [0] : vector<16xf32>, vector<16xi32> -> vector<16xf32>
        %mul3A_598 = arith.constant 16 : i32
        %mul3A_599 = arith.muli %scan3A_239, %mul3A_598 : i32
        %add3A_600 = arith.constant 11 : i32
        %add3A_601 = arith.addi %mul3A_599, %add3A_600 : i32
        %get3A_602 = arith.index_cast %select_n3A_174 : i32 to index
        %get3A_603 = arith.index_cast %add3A_601 : i32 to index
        %get3A_604 = arith.constant 0 : index
        %get3A_605 = tpu.vector_load %arg12[%get3A_602, %get3A_603, %get3A_604] {strides = array<i32>} : memref<2x1024x32xf32, #tpu.memory_space<vmem>>, vector<1x1x16xf32>,
        %get3A_606 = vector.shape_cast %get3A_605 : vector<1x1x16xf32> to vector<16xf32>
        %mul3A_607 = arith.mulf %get3A_606, %gather3A_597 : vector<16xf32>
        %swap3A_608 = arith.index_cast %select_n3A_174 : i32 to index
        %swap3A_609 = arith.index_cast %add3A_601 : i32 to index
        %swap3A_610 = arith.constant 0 : index
        %swap3A_611 = tpu.vector_load %arg12[%swap3A_608, %swap3A_609, %swap3A_610] {strides = array<i32>} : memref<2x1024x32xf32, #tpu.memory_space<vmem>>, vector<1x1x16xf32>,
        %swap3A_612 = vector.shape_cast %swap3A_611 : vector<1x1x16xf32> to vector<16xf32>
        %swap3A_613 = vector.shape_cast %mul3A_607 : vector<16xf32> to vector<1x1x16xf32>
        tpu.vector_store %arg12[%swap3A_608, %swap3A_609, %swap3A_610], %swap3A_613 {strides = array<i32>} : memref<2x1024x32xf32, #tpu.memory_space<vmem>>, vector<1x1x16xf32>,
        %get3A_614 = arith.index_cast %select_n3A_174 : i32 to index
        %get3A_615 = arith.index_cast %add3A_601 : i32 to index
        %get3A_616 = arith.constant 16 : index
        %get3A_617 = tpu.vector_load %arg12[%get3A_614, %get3A_615, %get3A_616] {strides = array<i32>} : memref<2x1024x32xf32, #tpu.memory_space<vmem>>, vector<1x1x16xf32>,
        %get3A_618 = vector.shape_cast %get3A_617 : vector<1x1x16xf32> to vector<16xf32>
        %mul3A_619 = arith.mulf %get3A_618, %gather3A_597 : vector<16xf32>
        %swap3A_620 = arith.index_cast %select_n3A_174 : i32 to index
        %swap3A_621 = arith.index_cast %add3A_601 : i32 to index
        %swap3A_622 = arith.constant 16 : index
        %swap3A_623 = tpu.vector_load %arg12[%swap3A_620, %swap3A_621, %swap3A_622] {strides = array<i32>} : memref<2x1024x32xf32, #tpu.memory_space<vmem>>, vector<1x1x16xf32>,
        %swap3A_624 = vector.shape_cast %swap3A_623 : vector<1x1x16xf32> to vector<16xf32>
        %swap3A_625 = vector.shape_cast %mul3A_619 : vector<16xf32> to vector<1x1x16xf32>
        tpu.vector_store %arg12[%swap3A_620, %swap3A_621, %swap3A_622], %swap3A_625 {strides = array<i32>} : memref<2x1024x32xf32, #tpu.memory_space<vmem>>, vector<1x1x16xf32>,
        %broadcast_in_dim3A_626 = arith.constant 12 : i32
        %broadcast_in_dim3A_627 = vector.broadcast %broadcast_in_dim3A_626 : i32 to vector<16x1xi32>
        %gather3A_628 = vector.shape_cast %broadcast_in_dim3A_627 : vector<16x1xi32> to vector<16xi32>
        %gather3A_629 = tpu.dynamic_gather %get3A_244[%gather3A_628] in [0] : vector<16xf32>, vector<16xi32> -> vector<16xf32>
        %mul3A_630 = arith.constant 16 : i32
        %mul3A_631 = arith.muli %scan3A_239, %mul3A_630 : i32
        %add3A_632 = arith.constant 12 : i32
        %add3A_633 = arith.addi %mul3A_631, %add3A_632 : i32
        %get3A_634 = arith.index_cast %select_n3A_174 : i32 to index
        %get3A_635 = arith.index_cast %add3A_633 : i32 to index
        %get3A_636 = arith.constant 0 : index
        %get3A_637 = tpu.vector_load %arg12[%get3A_634, %get3A_635, %get3A_636] {strides = array<i32>} : memref<2x1024x32xf32, #tpu.memory_space<vmem>>, vector<1x1x16xf32>,
        %get3A_638 = vector.shape_cast %get3A_637 : vector<1x1x16xf32> to vector<16xf32>
        %mul3A_639 = arith.mulf %get3A_638, %gather3A_629 : vector<16xf32>
        %swap3A_640 = arith.index_cast %select_n3A_174 : i32 to index
        %swap3A_641 = arith.index_cast %add3A_633 : i32 to index
        %swap3A_642 = arith.constant 0 : index
        %swap3A_643 = tpu.vector_load %arg12[%swap3A_640, %swap3A_641, %swap3A_642] {strides = array<i32>} : memref<2x1024x32xf32, #tpu.memory_space<vmem>>, vector<1x1x16xf32>,
        %swap3A_644 = vector.shape_cast %swap3A_643 : vector<1x1x16xf32> to vector<16xf32>
        %swap3A_645 = vector.shape_cast %mul3A_639 : vector<16xf32> to vector<1x1x16xf32>
        tpu.vector_store %arg12[%swap3A_640, %swap3A_641, %swap3A_642], %swap3A_645 {strides = array<i32>} : memref<2x1024x32xf32, #tpu.memory_space<vmem>>, vector<1x1x16xf32>,
        %get3A_646 = arith.index_cast %select_n3A_174 : i32 to index
        %get3A_647 = arith.index_cast %add3A_633 : i32 to index
        %get3A_648 = arith.constant 16 : index
        %get3A_649 = tpu.vector_load %arg12[%get3A_646, %get3A_647, %get3A_648] {strides = array<i32>} : memref<2x1024x32xf32, #tpu.memory_space<vmem>>, vector<1x1x16xf32>,
        %get3A_650 = vector.shape_cast %get3A_649 : vector<1x1x16xf32> to vector<16xf32>
        %mul3A_651 = arith.mulf %get3A_650, %gather3A_629 : vector<16xf32>
        %swap3A_652 = arith.index_cast %select_n3A_174 : i32 to index
        %swap3A_653 = arith.index_cast %add3A_633 : i32 to index
        %swap3A_654 = arith.constant 16 : index
        %swap3A_655 = tpu.vector_load %arg12[%swap3A_652, %swap3A_653, %swap3A_654] {strides = array<i32>} : memref<2x1024x32xf32, #tpu.memory_space<vmem>>, vector<1x1x16xf32>,
        %swap3A_656 = vector.shape_cast %swap3A_655 : vector<1x1x16xf32> to vector<16xf32>
        %swap3A_657 = vector.shape_cast %mul3A_651 : vector<16xf32> to vector<1x1x16xf32>
        tpu.vector_store %arg12[%swap3A_652, %swap3A_653, %swap3A_654], %swap3A_657 {strides = array<i32>} : memref<2x1024x32xf32, #tpu.memory_space<vmem>>, vector<1x1x16xf32>,
        %broadcast_in_dim3A_658 = arith.constant 13 : i32
        %broadcast_in_dim3A_659 = vector.broadcast %broadcast_in_dim3A_658 : i32 to vector<16x1xi32>
        %gather3A_660 = vector.shape_cast %broadcast_in_dim3A_659 : vector<16x1xi32> to vector<16xi32>
        %gather3A_661 = tpu.dynamic_gather %get3A_244[%gather3A_660] in [0] : vector<16xf32>, vector<16xi32> -> vector<16xf32>
        %mul3A_662 = arith.constant 16 : i32
        %mul3A_663 = arith.muli %scan3A_239, %mul3A_662 : i32
        %add3A_664 = arith.constant 13 : i32
        %add3A_665 = arith.addi %mul3A_663, %add3A_664 : i32
        %get3A_666 = arith.index_cast %select_n3A_174 : i32 to index
        %get3A_667 = arith.index_cast %add3A_665 : i32 to index
        %get3A_668 = arith.constant 0 : index
        %get3A_669 = tpu.vector_load %arg12[%get3A_666, %get3A_667, %get3A_668] {strides = array<i32>} : memref<2x1024x32xf32, #tpu.memory_space<vmem>>, vector<1x1x16xf32>,
        %get3A_670 = vector.shape_cast %get3A_669 : vector<1x1x16xf32> to vector<16xf32>
        %mul3A_671 = arith.mulf %get3A_670, %gather3A_661 : vector<16xf32>
        %swap3A_672 = arith.index_cast %select_n3A_174 : i32 to index
        %swap3A_673 = arith.index_cast %add3A_665 : i32 to index
        %swap3A_674 = arith.constant 0 : index
        %swap3A_675 = tpu.vector_load %arg12[%swap3A_672, %swap3A_673, %swap3A_674] {strides = array<i32>} : memref<2x1024x32xf32, #tpu.memory_space<vmem>>, vector<1x1x16xf32>,
        %swap3A_676 = vector.shape_cast %swap3A_675 : vector<1x1x16xf32> to vector<16xf32>
        %swap3A_677 = vector.shape_cast %mul3A_671 : vector<16xf32> to vector<1x1x16xf32>
        tpu.vector_store %arg12[%swap3A_672, %swap3A_673, %swap3A_674], %swap3A_677 {strides = array<i32>} : memref<2x1024x32xf32, #tpu.memory_space<vmem>>, vector<1x1x16xf32>,
        %get3A_678 = arith.index_cast %select_n3A_174 : i32 to index
        %get3A_679 = arith.index_cast %add3A_665 : i32 to index
        %get3A_680 = arith.constant 16 : index
        %get3A_681 = tpu.vector_load %arg12[%get3A_678, %get3A_679, %get3A_680] {strides = array<i32>} : memref<2x1024x32xf32, #tpu.memory_space<vmem>>, vector<1x1x16xf32>,
        %get3A_682 = vector.shape_cast %get3A_681 : vector<1x1x16xf32> to vector<16xf32>
        %mul3A_683 = arith.mulf %get3A_682, %gather3A_661 : vector<16xf32>
        %swap3A_684 = arith.index_cast %select_n3A_174 : i32 to index
        %swap3A_685 = arith.index_cast %add3A_665 : i32 to index
        %swap3A_686 = arith.constant 16 : index
        %swap3A_687 = tpu.vector_load %arg12[%swap3A_684, %swap3A_685, %swap3A_686] {strides = array<i32>} : memref<2x1024x32xf32, #tpu.memory_space<vmem>>, vector<1x1x16xf32>,
        %swap3A_688 = vector.shape_cast %swap3A_687 : vector<1x1x16xf32> to vector<16xf32>
        %swap3A_689 = vector.shape_cast %mul3A_683 : vector<16xf32> to vector<1x1x16xf32>
        tpu.vector_store %arg12[%swap3A_684, %swap3A_685, %swap3A_686], %swap3A_689 {strides = array<i32>} : memref<2x1024x32xf32, #tpu.memory_space<vmem>>, vector<1x1x16xf32>,
        %broadcast_in_dim3A_690 = arith.constant 14 : i32
        %broadcast_in_dim3A_691 = vector.broadcast %broadcast_in_dim3A_690 : i32 to vector<16x1xi32>
        %gather3A_692 = vector.shape_cast %broadcast_in_dim3A_691 : vector<16x1xi32> to vector<16xi32>
        %gather3A_693 = tpu.dynamic_gather %get3A_244[%gather3A_692] in [0] : vector<16xf32>, vector<16xi32> -> vector<16xf32>
        %mul3A_694 = arith.constant 16 : i32
        %mul3A_695 = arith.muli %scan3A_239, %mul3A_694 : i32
        %add3A_696 = arith.constant 14 : i32
        %add3A_697 = arith.addi %mul3A_695, %add3A_696 : i32
        %get3A_698 = arith.index_cast %select_n3A_174 : i32 to index
        %get3A_699 = arith.index_cast %add3A_697 : i32 to index
        %get3A_700 = arith.constant 0 : index
        %get3A_701 = tpu.vector_load %arg12[%get3A_698, %get3A_699, %get3A_700] {strides = array<i32>} : memref<2x1024x32xf32, #tpu.memory_space<vmem>>, vector<1x1x16xf32>,
        %get3A_702 = vector.shape_cast %get3A_701 : vector<1x1x16xf32> to vector<16xf32>
        %mul3A_703 = arith.mulf %get3A_702, %gather3A_693 : vector<16xf32>
        %swap3A_704 = arith.index_cast %select_n3A_174 : i32 to index
        %swap3A_705 = arith.index_cast %add3A_697 : i32 to index
        %swap3A_706 = arith.constant 0 : index
        %swap3A_707 = tpu.vector_load %arg12[%swap3A_704, %swap3A_705, %swap3A_706] {strides = array<i32>} : memref<2x1024x32xf32, #tpu.memory_space<vmem>>, vector<1x1x16xf32>,
        %swap3A_708 = vector.shape_cast %swap3A_707 : vector<1x1x16xf32> to vector<16xf32>
        %swap3A_709 = vector.shape_cast %mul3A_703 : vector<16xf32> to vector<1x1x16xf32>
        tpu.vector_store %arg12[%swap3A_704, %swap3A_705, %swap3A_706], %swap3A_709 {strides = array<i32>} : memref<2x1024x32xf32, #tpu.memory_space<vmem>>, vector<1x1x16xf32>,
        %get3A_710 = arith.index_cast %select_n3A_174 : i32 to index
        %get3A_711 = arith.index_cast %add3A_697 : i32 to index
        %get3A_712 = arith.constant 16 : index
        %get3A_713 = tpu.vector_load %arg12[%get3A_710, %get3A_711, %get3A_712] {strides = array<i32>} : memref<2x1024x32xf32, #tpu.memory_space<vmem>>, vector<1x1x16xf32>,
        %get3A_714 = vector.shape_cast %get3A_713 : vector<1x1x16xf32> to vector<16xf32>
        %mul3A_715 = arith.mulf %get3A_714, %gather3A_693 : vector<16xf32>
        %swap3A_716 = arith.index_cast %select_n3A_174 : i32 to index
        %swap3A_717 = arith.index_cast %add3A_697 : i32 to index
        %swap3A_718 = arith.constant 16 : index
        %swap3A_719 = tpu.vector_load %arg12[%swap3A_716, %swap3A_717, %swap3A_718] {strides = array<i32>} : memref<2x1024x32xf32, #tpu.memory_space<vmem>>, vector<1x1x16xf32>,
        %swap3A_720 = vector.shape_cast %swap3A_719 : vector<1x1x16xf32> to vector<16xf32>
        %swap3A_721 = vector.shape_cast %mul3A_715 : vector<16xf32> to vector<1x1x16xf32>
        tpu.vector_store %arg12[%swap3A_716, %swap3A_717, %swap3A_718], %swap3A_721 {strides = array<i32>} : memref<2x1024x32xf32, #tpu.memory_space<vmem>>, vector<1x1x16xf32>,
        %broadcast_in_dim3A_722 = arith.constant 15 : i32
        %broadcast_in_dim3A_723 = vector.broadcast %broadcast_in_dim3A_722 : i32 to vector<16x1xi32>
        %gather3A_724 = vector.shape_cast %broadcast_in_dim3A_723 : vector<16x1xi32> to vector<16xi32>
        %gather3A_725 = tpu.dynamic_gather %get3A_244[%gather3A_724] in [0] : vector<16xf32>, vector<16xi32> -> vector<16xf32>
        %mul3A_726 = arith.constant 16 : i32
        %mul3A_727 = arith.muli %scan3A_239, %mul3A_726 : i32
        %add3A_728 = arith.constant 15 : i32
        %add3A_729 = arith.addi %mul3A_727, %add3A_728 : i32
        %get3A_730 = arith.index_cast %select_n3A_174 : i32 to index
        %get3A_731 = arith.index_cast %add3A_729 : i32 to index
        %get3A_732 = arith.constant 0 : index
        %get3A_733 = tpu.vector_load %arg12[%get3A_730, %get3A_731, %get3A_732] {strides = array<i32>} : memref<2x1024x32xf32, #tpu.memory_space<vmem>>, vector<1x1x16xf32>,
        %get3A_734 = vector.shape_cast %get3A_733 : vector<1x1x16xf32> to vector<16xf32>
        %mul3A_735 = arith.mulf %get3A_734, %gather3A_725 : vector<16xf32>
        %swap3A_736 = arith.index_cast %select_n3A_174 : i32 to index
        %swap3A_737 = arith.index_cast %add3A_729 : i32 to index
        %swap3A_738 = arith.constant 0 : index
        %swap3A_739 = tpu.vector_load %arg12[%swap3A_736, %swap3A_737, %swap3A_738] {strides = array<i32>} : memref<2x1024x32xf32, #tpu.memory_space<vmem>>, vector<1x1x16xf32>,
        %swap3A_740 = vector.shape_cast %swap3A_739 : vector<1x1x16xf32> to vector<16xf32>
        %swap3A_741 = vector.shape_cast %mul3A_735 : vector<16xf32> to vector<1x1x16xf32>
        tpu.vector_store %arg12[%swap3A_736, %swap3A_737, %swap3A_738], %swap3A_741 {strides = array<i32>} : memref<2x1024x32xf32, #tpu.memory_space<vmem>>, vector<1x1x16xf32>,
        %get3A_742 = arith.index_cast %select_n3A_174 : i32 to index
        %get3A_743 = arith.index_cast %add3A_729 : i32 to index
        %get3A_744 = arith.constant 16 : index
        %get3A_745 = tpu.vector_load %arg12[%get3A_742, %get3A_743, %get3A_744] {strides = array<i32>} : memref<2x1024x32xf32, #tpu.memory_space<vmem>>, vector<1x1x16xf32>,
        %get3A_746 = vector.shape_cast %get3A_745 : vector<1x1x16xf32> to vector<16xf32>
        %mul3A_747 = arith.mulf %get3A_746, %gather3A_725 : vector<16xf32>
        %swap3A_748 = arith.index_cast %select_n3A_174 : i32 to index
        %swap3A_749 = arith.index_cast %add3A_729 : i32 to index
        %swap3A_750 = arith.constant 16 : index
        %swap3A_751 = tpu.vector_load %arg12[%swap3A_748, %swap3A_749, %swap3A_750] {strides = array<i32>} : memref<2x1024x32xf32, #tpu.memory_space<vmem>>, vector<1x1x16xf32>,
        %swap3A_752 = vector.shape_cast %swap3A_751 : vector<1x1x16xf32> to vector<16xf32>
        %swap3A_753 = vector.shape_cast %mul3A_747 : vector<16xf32> to vector<1x1x16xf32>
        tpu.vector_store %arg12[%swap3A_748, %swap3A_749, %swap3A_750], %swap3A_753 {strides = array<i32>} : memref<2x1024x32xf32, #tpu.memory_space<vmem>>, vector<1x1x16xf32>,
      }
      %scan3A_196 = arith.constant 64 : i32
      %jit3A_197 = arith.constant 2 : i32
      %eq3A_198 = arith.constant 0 : i32
      %eq3A_199 = arith.cmpi eq, %jit3A_197, %eq3A_198 : i32
      %jit3A_200 = arith.constant 1 : i32
      %select_n3A_201 = arith.select %eq3A_199, %jit3A_200, %jit3A_197 : i32
      %rem3A_202 = arith.remsi %scan3A_108, %select_n3A_201 : i32
      %ne3A_203 = arith.constant 0 : i32
      %ne3A_204 = arith.cmpi ne, %rem3A_202, %ne3A_203 : i32
      %lt3A_205 = arith.constant 0 : i32
      %lt3A_206 = arith.cmpi slt, %rem3A_202, %lt3A_205 : i32
      %lt3A_207 = arith.constant 0 : i32
      %lt3A_208 = arith.cmpi slt, %select_n3A_201, %lt3A_207 : i32
      %ne3A_209 = arith.xori %lt3A_206, %lt3A_208 : i1
      %and3A_210 = arith.andi %ne3A_209, %ne3A_204 : i1
      %add3A_211 = arith.addi %rem3A_202, %select_n3A_201 : i32
      %select_n3A_212 = arith.select %and3A_210, %add3A_211, %rem3A_202 : i32
      %jit3A_213 = arith.constant 4 : i32
      %eq3A_214 = arith.constant 0 : i32
      %eq3A_215 = arith.cmpi eq, %jit3A_213, %eq3A_214 : i32
      %jit3A_216 = arith.constant 1 : i32
      %select_n3A_217 = arith.select %eq3A_215, %jit3A_216, %jit3A_213 : i32
      %rem3A_218 = arith.remsi %scan3A_108, %select_n3A_217 : i32
      %ne3A_219 = arith.constant 0 : i32
      %ne3A_220 = arith.cmpi ne, %rem3A_218, %ne3A_219 : i32
      %lt3A_221 = arith.constant 0 : i32
      %lt3A_222 = arith.cmpi slt, %rem3A_218, %lt3A_221 : i32
      %lt3A_223 = arith.constant 0 : i32
      %lt3A_224 = arith.cmpi slt, %select_n3A_217, %lt3A_223 : i32
      %ne3A_225 = arith.xori %lt3A_222, %lt3A_224 : i1
      %and3A_226 = arith.andi %ne3A_225, %ne3A_220 : i1
      %add3A_227 = arith.addi %rem3A_218, %select_n3A_217 : i32
      %select_n3A_228 = arith.select %and3A_226, %add3A_227, %rem3A_218 : i32
      %dma_start3A_229 = arith.constant 0 : i32
      %dma_start3A_230 = arith.constant 0 : i32
      %dma_start3A_231 = tpu.memref_slice %arg12[%select_n3A_212, %dma_start3A_229, %dma_start3A_230] : memref<2x1024x32xf32, #tpu.memory_space<vmem>> -> memref<1x1024x32xf32, #tpu.memory_space<vmem>>
      %dma_start3A_232 = tpu.memref_squeeze %dma_start3A_231 : memref<1x1024x32xf32, #tpu.memory_space<vmem>> -> memref<1024x32xf32, #tpu.memory_space<vmem>>
      %dma_start3A_233 = arith.constant 0 : i32
      %dma_start3A_234 = tpu.memref_slice %arg10[%select_n3A_228, %dma_start3A_233] : memref<4x1024xi32, #tpu.memory_space<vmem>> -> memref<1x1024xi32, #tpu.memory_space<vmem>>
      %dma_start3A_235 = tpu.memref_squeeze %dma_start3A_234 : memref<1x1024xi32, #tpu.memory_space<vmem>> -> memref<1024xi32, #tpu.memory_space<vmem>>
      %dma_start3A_236 = arith.constant 0 : i32
      %dma_start3A_237 = arith.constant 0 : i32
      %dma_start3A_238 = tpu.memref_slice %arg13[%dma_start3A_236, %dma_start3A_237] : memref<10000x32xf32, #tpu.memory_space<vmem_shared>> -> memref<10000x32xf32, #tpu.memory_space<vmem_shared>>
      tpu.enqueue_indirect_dma source(%dma_start3A_232 : memref<1024x32xf32, #tpu.memory_space<vmem>>) target(%dma_start3A_238 : memref<10000x32xf32, #tpu.memory_space<vmem_shared>>) offsets(%dma_start3A_235 : memref<1024xi32, #tpu.memory_space<vmem>>) semaphore(%arg16 : memref<!tpu.dma_semaphore, #tpu.memory_space<semaphore_mem>>) {add = true}
    }
    %scan3A_88 = arith.constant 20 : i32
    %dma_wait3A_89 = arith.constant 1 : i32
    %dma_wait3A_90 = arith.constant 3 : i32
    %dma_wait3A_91 = arith.constant 0 : i32
    %dma_wait3A_92 = arith.constant 0 : i32
    %dma_wait3A_93 = tpu.memref_slice %arg12[%dma_wait3A_89, %dma_wait3A_91, %dma_wait3A_92] : memref<2x1024x32xf32, #tpu.memory_space<vmem>> -> memref<1x1024x32xf32, #tpu.memory_space<vmem>>
    %dma_wait3A_94 = tpu.memref_squeeze %dma_wait3A_93 : memref<1x1024x32xf32, #tpu.memory_space<vmem>> -> memref<1024x32xf32, #tpu.memory_space<vmem>>
    %dma_wait3A_95 = arith.constant 0 : i32
    %dma_wait3A_96 = tpu.memref_slice %arg10[%dma_wait3A_90, %dma_wait3A_95] : memref<4x1024xi32, #tpu.memory_space<vmem>> -> memref<1x1024xi32, #tpu.memory_space<vmem>>
    %dma_wait3A_97 = tpu.memref_squeeze %dma_wait3A_96 : memref<1x1024xi32, #tpu.memory_space<vmem>> -> memref<1024xi32, #tpu.memory_space<vmem>>
    %dma_wait3A_98 = arith.constant 0 : i32
    %dma_wait3A_99 = arith.constant 0 : i32
    %dma_wait3A_100 = tpu.memref_slice %arg13[%dma_wait3A_98, %dma_wait3A_99] : memref<10000x32xf32, #tpu.memory_space<vmem_shared>> -> memref<10000x32xf32, #tpu.memory_space<vmem_shared>>
    tpu.wait_indirect_dma semaphore(%arg16 : memref<!tpu.dma_semaphore, #tpu.memory_space<semaphore_mem>>) src(%dma_wait3A_94 : memref<1024x32xf32, #tpu.memory_space<vmem>>) dst(%dma_wait3A_100 : memref<10000x32xf32, #tpu.memory_space<vmem_shared>>)
    %barrier3A_101 = arith.constant 0 : index
    tpu.barrier barrier_id(%barrier3A_101)
    %mul3A_102 = arith.constant 625 : i32
    %mul3A_103 = arith.muli %arg1, %mul3A_102 : i32
    %mul3A_104 = arith.constant 625 : i32
    %mul3A_105 = arith.muli %arg1, %mul3A_104 : i32
    %mul3A_106 = arith.constant 32 : i32
    %mul3A_107 = arith.muli %mul3A_106, %arg0 : i32
    "tpu.region"() ({
      %run_scoped3A = tpu.sem_alloc : memref<!tpu.dma_semaphore, #tpu.memory_space<semaphore_mem>>
      %dma_start3A_108 = tpu.memref_slice %arg8[%mul3A_105, %mul3A_107] : memref<10000x128xf32, #tpu.memory_space<hbm>> -> memref<625x32xf32, #tpu.memory_space<hbm>>
      %dma_start3A_109 = arith.constant 0 : i32
      %dma_start3A_110 = tpu.memref_slice %arg13[%mul3A_103, %dma_start3A_109] : memref<10000x32xf32, #tpu.memory_space<vmem_shared>> -> memref<625x32xf32, #tpu.memory_space<vmem_shared>>
      tpu.enqueue_dma source(%dma_start3A_110 : memref<625x32xf32, #tpu.memory_space<vmem_shared>>) target(%dma_start3A_108 : memref<625x32xf32, #tpu.memory_space<hbm>>) target_semaphore(%run_scoped3A : memref<!tpu.dma_semaphore, #tpu.memory_space<semaphore_mem>>)
      %dma_wait3A_111 = tpu.memref_slice %arg8[%mul3A_105, %mul3A_107] : memref<10000x128xf32, #tpu.memory_space<hbm>> -> memref<625x32xf32, #tpu.memory_space<hbm>>
      %dma_wait3A_112 = arith.constant 0 : i32
      %dma_wait3A_113 = tpu.memref_slice %arg13[%mul3A_103, %dma_wait3A_112] : memref<10000x32xf32, #tpu.memory_space<vmem_shared>> -> memref<625x32xf32, #tpu.memory_space<vmem_shared>>
      tpu.wait_dma2 semaphore(%run_scoped3A : memref<!tpu.dma_semaphore, #tpu.memory_space<semaphore_mem>>) src(%dma_wait3A_113 : memref<625x32xf32, #tpu.memory_space<vmem_shared>>) dst(%dma_wait3A_111 : memref<625x32xf32, #tpu.memory_space<hbm>>)
      tpu.yield
    }) : () -> ()
    return
  }
}

module attributes {stable_mosaic.version = 14 : i64} {
  func.func @_proj_body(%arg0: i32, %arg1: memref<1000x128xf32, #tpu.memory_space<vmem>>, %arg2: memref<128x128xf32, #tpu.memory_space<vmem>>, %arg3: memref<1000x128xf32, #tpu.memory_space<vmem>>) attributes {dimension_semantics = [#tpu.dimension_semantics<arbitrary>], iteration_bounds = array<i64: 10>, scalar_prefetch = 0 : i64, scratch_operands = 0 : i64, tpu.core_type = #tpu.core_type<tc>, window_params = [{transform_indices = @transform_0, window_bounds = array<i64: 1000, 128>}, {pipeline_mode = #tpu.pipeline_mode<synchronous>, transform_indices = @transform_1, window_bounds = array<i64: 128, 128>}, {transform_indices = @transform_2, window_bounds = array<i64: 1000, 128>}]} {
    %get3A = arith.constant 0 : index
    %get3A_0 = arith.constant 0 : index
    %get3A_1 = vector.load %arg1[%get3A, %get3A_0] : memref<1000x128xf32, #tpu.memory_space<vmem>>, vector<1000x128xf32>
    %get3A_2 = arith.constant 0 : index
    %get3A_3 = arith.constant 0 : index
    %get3A_4 = vector.load %arg2[%get3A_2, %get3A_3] : memref<128x128xf32, #tpu.memory_space<vmem>>, vector<128x128xf32>
    %dot_general3A = arith.constant dense<0.000000e+00> : vector<1000x128xf32>
    %dot_general3A_5 = tpu.matmul %get3A_1, %get3A_4, %dot_general3A {dimension_numbers = #tpu.dot_dimension_numbers<[1], [0], [0], [1], [0, 0, 1, 1], [], []>, transpose_lhs_hint = false} : vector<1000x128xf32>, vector<128x128xf32>, vector<1000x128xf32> -> vector<1000x128xf32>
    %swap3A = arith.constant 0 : index
    %swap3A_6 = arith.constant 0 : index
    %swap3A_7 = vector.load %arg3[%swap3A, %swap3A_6] : memref<1000x128xf32, #tpu.memory_space<vmem>>, vector<1000x128xf32>
    tpu.vector_store %arg3[%swap3A, %swap3A_6], %dot_general3A_5 {strides = array<i32>} : memref<1000x128xf32, #tpu.memory_space<vmem>>, vector<1000x128xf32>,
    return
  }
  func.func @transform_0(%arg0: i32) -> (i32, i32) {
    %c0_i32 = arith.constant 0 : i32
    %c0_i32_0 = arith.constant 0 : i32
    return %arg0, %c0_i32 : i32, i32
  }
  func.func @transform_1(%arg0: i32) -> (i32, i32) {
    %c0_i32 = arith.constant 0 : i32
    %c0_i32_0 = arith.constant 0 : i32
    %c0_i32_1 = arith.constant 0 : i32
    return %c0_i32, %c0_i32_0 : i32, i32
  }
  func.func @transform_2(%arg0: i32) -> (i32, i32) {
    %c0_i32 = arith.constant 0 : i32
    %c0_i32_0 = arith.constant 0 : i32
    return %arg0, %c0_i32 : i32, i32
  }
}

module attributes {stable_mosaic.version = 14 : i64} {
  func.func @_post_body(%arg0: memref<10000x128xf32, #tpu.memory_space<vmem>>, %arg1: memref<10000x32xf32, #tpu.memory_space<vmem>>, %arg2: memref<64x32xf32, #tpu.memory_space<vmem>>, %arg3: memref<1x64xf32, #tpu.memory_space<vmem>>, %arg4: memref<1x64xf32, #tpu.memory_space<vmem>>, %arg5: memref<1xf32, #tpu.memory_space<smem>>, %arg6: memref<10000x32xf32, #tpu.memory_space<vmem>>) attributes {dimension_semantics = [], scalar_prefetch = 0 : i64, scratch_operands = 0 : i64, tpu.core_type = #tpu.core_type<tc>} {
    %get3A = arith.constant 0 : index
    %get3A_0 = arith.constant 0 : index
    %get3A_1 = vector.load %arg0[%get3A, %get3A_0] : memref<10000x128xf32, #tpu.memory_space<vmem>>, vector<10000x64xf32>
    %get3A_2 = arith.constant 0 : index
    %get3A_3 = arith.constant 0 : index
    %get3A_4 = vector.load %arg3[%get3A_2, %get3A_3] : memref<1x64xf32, #tpu.memory_space<vmem>>, vector<1x64xf32>
    %get3A_5 = arith.constant 0 : index
    %get3A_6 = arith.constant 0 : index
    %get3A_7 = vector.load %arg4[%get3A_5, %get3A_6] : memref<1x64xf32, #tpu.memory_space<vmem>>, vector<1x64xf32>
    %get3A_8 = arith.constant 0 : index
    %get3A_9 = memref.load %arg5[%get3A_8] : memref<1xf32, #tpu.memory_space<smem>>
    %reduce_sum3A = arith.constant dense<0.000000e+00> : vector<64xf32>
    %reduce_sum3A_10 = vector.multi_reduction <add>, %get3A_1, %reduce_sum3A [0] : vector<10000x64xf32> to vector<64xf32>
    %broadcast_in_dim3A = vector.shape_cast %reduce_sum3A_10 : vector<64xf32> to vector<1x64xf32>
    %mul3A = arith.constant 9.99999974E-5 : f32
    %mul3A_11 = vector.broadcast %mul3A : f32 to vector<1x64xf32>
    %mul3A_12 = arith.mulf %broadcast_in_dim3A, %mul3A_11 : vector<1x64xf32>
    %mul3A_13 = arith.mulf %get3A_1, %get3A_1 : vector<10000x64xf32>
    %reduce_sum3A_14 = arith.constant dense<0.000000e+00> : vector<64xf32>
    %reduce_sum3A_15 = vector.multi_reduction <add>, %mul3A_13, %reduce_sum3A_14 [0] : vector<10000x64xf32> to vector<64xf32>
    %broadcast_in_dim3A_16 = vector.shape_cast %reduce_sum3A_15 : vector<64xf32> to vector<1x64xf32>
    %mul3A_17 = arith.constant 9.99999974E-5 : f32
    %mul3A_18 = vector.broadcast %mul3A_17 : f32 to vector<1x64xf32>
    %mul3A_19 = arith.mulf %broadcast_in_dim3A_16, %mul3A_18 : vector<1x64xf32>
    %mul3A_20 = arith.mulf %mul3A_12, %mul3A_12 : vector<1x64xf32>
    %sub3A = arith.subf %mul3A_19, %mul3A_20 : vector<1x64xf32>
    %sub3A_21 = vector.broadcast %mul3A_12 : vector<1x64xf32> to vector<10000x64xf32>
    %sub3A_22 = arith.subf %get3A_1, %sub3A_21 : vector<10000x64xf32>
    %mul3A_23 = vector.broadcast %get3A_4 : vector<1x64xf32> to vector<10000x64xf32>
    %mul3A_24 = arith.mulf %mul3A_23, %sub3A_22 : vector<10000x64xf32>
    %add3A = arith.constant 9.99999974E-6 : f32
    %add3A_25 = vector.broadcast %add3A : f32 to vector<1x64xf32>
    %add3A_26 = arith.addf %sub3A, %add3A_25 : vector<1x64xf32>
    %rsqrt3A = math.rsqrt %add3A_26 : vector<1x64xf32>
    %mul3A_27 = vector.broadcast %rsqrt3A : vector<1x64xf32> to vector<10000x64xf32>
    %mul3A_28 = arith.mulf %mul3A_24, %mul3A_27 : vector<10000x64xf32>
    %add3A_29 = vector.broadcast %get3A_7 : vector<1x64xf32> to vector<10000x64xf32>
    %add3A_30 = arith.addf %mul3A_28, %add3A_29 : vector<10000x64xf32>
    %ge3A = arith.constant 0.000000e+00 : f32
    %ge3A_31 = vector.broadcast %ge3A : f32 to vector<10000x64xf32>
    %ge3A_32 = arith.cmpf oge, %add3A_30, %ge3A_31 : vector<10000x64xf32>
    %mul3A_33 = vector.broadcast %get3A_9 : f32 to vector<10000x64xf32>
    %mul3A_34 = arith.mulf %mul3A_33, %add3A_30 : vector<10000x64xf32>
    %select_n3A = arith.select %ge3A_32, %add3A_30, %mul3A_34 : vector<10000x64xi1>, vector<10000x64xf32>
    %get3A_35 = arith.constant 0 : index
    %get3A_36 = arith.constant 0 : index
    %get3A_37 = vector.load %arg1[%get3A_35, %get3A_36] : memref<10000x32xf32, #tpu.memory_space<vmem>>, vector<10000x32xf32>
    %get3A_38 = arith.constant 0 : index
    %get3A_39 = arith.constant 0 : index
    %get3A_40 = vector.load %arg2[%get3A_38, %get3A_39] : memref<64x32xf32, #tpu.memory_space<vmem>>, vector<64x32xf32>
    %dot_general3A = arith.constant dense<0.000000e+00> : vector<10000x32xf32>
    %dot_general3A_41 = tpu.matmul %select_n3A, %get3A_40, %dot_general3A {dimension_numbers = #tpu.dot_dimension_numbers<[1], [0], [0], [1], [0, 0, 1, 1], [], []>, transpose_lhs_hint = false} : vector<10000x64xf32>, vector<64x32xf32>, vector<10000x32xf32> -> vector<10000x32xf32>
    %add3A_42 = arith.addf %get3A_37, %dot_general3A_41 : vector<10000x32xf32>
    %mul3A_43 = arith.mulf %add3A_42, %add3A_42 : vector<10000x32xf32>
    %reduce_sum3A_44 = arith.constant dense<0.000000e+00> : vector<10000xf32>
    %reduce_sum3A_45 = vector.multi_reduction <add>, %mul3A_43, %reduce_sum3A_44 [1] : vector<10000x32xf32> to vector<10000xf32>
    %broadcast_in_dim3A_46 = vector.shape_cast %reduce_sum3A_45 : vector<10000xf32> to vector<10000x1xf32>
    %sqrt3A = math.sqrt %broadcast_in_dim3A_46 : vector<10000x1xf32>
    %max3A = arith.constant 9.99999996E-13 : f32
    %max3A_47 = vector.broadcast %max3A : f32 to vector<10000x1xf32>
    %max3A_48 = arith.maximumf %sqrt3A, %max3A_47 : vector<10000x1xf32>
    %div3A = vector.broadcast %max3A_48 : vector<10000x1xf32> to vector<10000x32xf32>
    %div3A_49 = arith.divf %add3A_42, %div3A : vector<10000x32xf32>
    %swap3A = arith.constant 0 : index
    %swap3A_50 = arith.constant 0 : index
    %swap3A_51 = vector.load %arg6[%swap3A, %swap3A_50] : memref<10000x32xf32, #tpu.memory_space<vmem>>, vector<10000x32xf32>
    tpu.vector_store %arg6[%swap3A, %swap3A_50], %div3A_49 {strides = array<i32>} : memref<10000x32xf32, #tpu.memory_space<vmem>>, vector<10000x32xf32>,
    return
  }
}

module attributes {stable_mosaic.version = 14 : i64} {
  func.func @_post_org_body(%arg0: memref<10000x128xf32, #tpu.memory_space<vmem>>, %arg1: memref<32x32xf32, #tpu.memory_space<vmem>>, %arg2: memref<1x32xf32, #tpu.memory_space<vmem>>, %arg3: memref<1x32xf32, #tpu.memory_space<vmem>>, %arg4: memref<1xf32, #tpu.memory_space<smem>>, %arg5: memref<10000x32xf32, #tpu.memory_space<vmem>>) attributes {dimension_semantics = [], scalar_prefetch = 0 : i64, scratch_operands = 0 : i64, tpu.core_type = #tpu.core_type<tc>} {
    %get3A = arith.constant 0 : index
    %get3A_0 = arith.constant 0 : index
    %get3A_1 = vector.load %arg0[%get3A, %get3A_0] : memref<10000x128xf32, #tpu.memory_space<vmem>>, vector<10000x32xf32>
    %get3A_2 = arith.constant 0 : index
    %get3A_3 = arith.constant 0 : index
    %get3A_4 = vector.load %arg2[%get3A_2, %get3A_3] : memref<1x32xf32, #tpu.memory_space<vmem>>, vector<1x32xf32>
    %get3A_5 = arith.constant 0 : index
    %get3A_6 = arith.constant 0 : index
    %get3A_7 = vector.load %arg3[%get3A_5, %get3A_6] : memref<1x32xf32, #tpu.memory_space<vmem>>, vector<1x32xf32>
    %get3A_8 = arith.constant 0 : index
    %get3A_9 = memref.load %arg4[%get3A_8] : memref<1xf32, #tpu.memory_space<smem>>
    %reduce_sum3A = arith.constant dense<0.000000e+00> : vector<32xf32>
    %reduce_sum3A_10 = vector.multi_reduction <add>, %get3A_1, %reduce_sum3A [0] : vector<10000x32xf32> to vector<32xf32>
    %broadcast_in_dim3A = vector.shape_cast %reduce_sum3A_10 : vector<32xf32> to vector<1x32xf32>
    %mul3A = arith.constant 9.99999974E-5 : f32
    %mul3A_11 = vector.broadcast %mul3A : f32 to vector<1x32xf32>
    %mul3A_12 = arith.mulf %broadcast_in_dim3A, %mul3A_11 : vector<1x32xf32>
    %mul3A_13 = arith.mulf %get3A_1, %get3A_1 : vector<10000x32xf32>
    %reduce_sum3A_14 = arith.constant dense<0.000000e+00> : vector<32xf32>
    %reduce_sum3A_15 = vector.multi_reduction <add>, %mul3A_13, %reduce_sum3A_14 [0] : vector<10000x32xf32> to vector<32xf32>
    %broadcast_in_dim3A_16 = vector.shape_cast %reduce_sum3A_15 : vector<32xf32> to vector<1x32xf32>
    %mul3A_17 = arith.constant 9.99999974E-5 : f32
    %mul3A_18 = vector.broadcast %mul3A_17 : f32 to vector<1x32xf32>
    %mul3A_19 = arith.mulf %broadcast_in_dim3A_16, %mul3A_18 : vector<1x32xf32>
    %mul3A_20 = arith.mulf %mul3A_12, %mul3A_12 : vector<1x32xf32>
    %sub3A = arith.subf %mul3A_19, %mul3A_20 : vector<1x32xf32>
    %sub3A_21 = vector.broadcast %mul3A_12 : vector<1x32xf32> to vector<10000x32xf32>
    %sub3A_22 = arith.subf %get3A_1, %sub3A_21 : vector<10000x32xf32>
    %mul3A_23 = vector.broadcast %get3A_4 : vector<1x32xf32> to vector<10000x32xf32>
    %mul3A_24 = arith.mulf %mul3A_23, %sub3A_22 : vector<10000x32xf32>
    %add3A = arith.constant 9.99999974E-6 : f32
    %add3A_25 = vector.broadcast %add3A : f32 to vector<1x32xf32>
    %add3A_26 = arith.addf %sub3A, %add3A_25 : vector<1x32xf32>
    %rsqrt3A = math.rsqrt %add3A_26 : vector<1x32xf32>
    %mul3A_27 = vector.broadcast %rsqrt3A : vector<1x32xf32> to vector<10000x32xf32>
    %mul3A_28 = arith.mulf %mul3A_24, %mul3A_27 : vector<10000x32xf32>
    %add3A_29 = vector.broadcast %get3A_7 : vector<1x32xf32> to vector<10000x32xf32>
    %add3A_30 = arith.addf %mul3A_28, %add3A_29 : vector<10000x32xf32>
    %ge3A = arith.constant 0.000000e+00 : f32
    %ge3A_31 = vector.broadcast %ge3A : f32 to vector<10000x32xf32>
    %ge3A_32 = arith.cmpf oge, %add3A_30, %ge3A_31 : vector<10000x32xf32>
    %mul3A_33 = vector.broadcast %get3A_9 : f32 to vector<10000x32xf32>
    %mul3A_34 = arith.mulf %mul3A_33, %add3A_30 : vector<10000x32xf32>
    %select_n3A = arith.select %ge3A_32, %add3A_30, %mul3A_34 : vector<10000x32xi1>, vector<10000x32xf32>
    %get3A_35 = arith.constant 0 : index
    %get3A_36 = arith.constant 0 : index
    %get3A_37 = vector.load %arg1[%get3A_35, %get3A_36] : memref<32x32xf32, #tpu.memory_space<vmem>>, vector<32x32xf32>
    %dot_general3A = arith.constant dense<0.000000e+00> : vector<10000x32xf32>
    %dot_general3A_38 = tpu.matmul %select_n3A, %get3A_37, %dot_general3A {dimension_numbers = #tpu.dot_dimension_numbers<[1], [0], [0], [1], [0, 0, 1, 1], [], []>, transpose_lhs_hint = false} : vector<10000x32xf32>, vector<32x32xf32>, vector<10000x32xf32> -> vector<10000x32xf32>
    %swap3A = arith.constant 0 : index
    %swap3A_39 = arith.constant 0 : index
    %swap3A_40 = vector.load %arg5[%swap3A, %swap3A_39] : memref<10000x32xf32, #tpu.memory_space<vmem>>, vector<10000x32xf32>
    tpu.vector_store %arg5[%swap3A, %swap3A_39], %dot_general3A_38 {strides = array<i32>} : memref<10000x32xf32, #tpu.memory_space<vmem>>, vector<10000x32xf32>,
    return
  }
}

</mosaic_0001>

<sc_bundles>
// kernel: kernel.6.cloned.1.call-start
scs
__scs_entry_jumppad:
0x0: {  	(pc) =	sbr.rel $0x88, $3  }
0x1: {  	(tag) =	ssettag $0x0;
	lr =	simm.s32 $0x1  }
0x2: {  	[smem:$0x3F91] =	sst lr;
	_ =	strace $0xD0000000  }
0x3: {  	_ = 	snop  }
0x4: {  	_ = 	snop  }
0x5: {  	_ = 	snop  }
0x6: {  	_ = 	snop  }
0x7: {  	_ = 	snop  }
__scs_overlays_trampoline_lowered:
0x8: {  	[smem:$0x3FA0] =	sst s0  }
0x9: {  	[smem:$0x3FA1] =	sst s1  }
0xa: {  	[smem:$0x3FA2] =	sst s2  }
0xb: {  	[smem:$0x3FA3] =	sst s3  }
0xc: {  	[smem:$0x3FA4] =	sst s4  }
0xd: {  	[smem:$0x3FA5] =	sst s5  }
0xe: {  	[smem:$0x3FA6] =	sst s6  }
0xf: {  	[smem:$0x3FA7] =	sst s7  }
0x10: {  	[smem:$0x3FA8] =	sst s8  }
0x11: {  	[smem:$0x3FA9] =	sst s9;
	s0 =	simm.s32 @!p0 $0x0  }
0x12: {  	s1 =	sld [smem:$0x3F8F];
	s0 =	simm.s32 @p0 $0x1  }
0x13: {  	[smem:$0x3FAA] =	sst s0;
	s0 =	simm.s32 @!p1 $0x0  }
0x14: {  	s2 =	sld [smem:$0x3F8E];
	s0 =	simm.s32 @p1 $0x1  }
0x15: {  	[smem:$0x3FAB] =	sst s0;
	s0 =	simm.s32 @!p2 $0x0  }
0x16: {  	s3 =	sld [smem:$0x3FDB];
	s0 =	simm.s32 @p2 $0x1  }
0x17: {  	s4 =	simm.s32 $0x1BF5;
	[smem:$0x3FAD] =	sst s0  }
0x18: {  	s0 =	sld [smem:$0x3F90];
	_ =	swait.ge [sflag:s4], $0x0  }
0x19: {  	s7 =	sld [smem:$0x3F91]  }
0x1a: {  	s8 =	sadd.s32 $0xFFFFE003, lr  }
0x1b: {  	s9 =	sadd.s32 $0xFFFFFEF7, lr;
	s5 =	simm.s32 $0xFFFFFFFF;
	p2 =	slt.u32 s8, $0xFFFFF086  }
0x1c: {  	p1 =	slt.u32 s9, $0xF7A;
	s5 =	simm.s32 @!p2 $0x0  }
0x1d: {  	s5 =	simm.s32 @p1 $0x1;
	p0 =	seq.s32 s7, s2  }
0x1e: {  	s7 =	smul.u32 @!p0 $0xF7A, s2;
	p2 =	seq.s32 @!p0 s5, $0x0  }
0x1f: {  	s9 =	smul.u32 $0xF7A, s1;
	s8 =	simm.s32 @!p0 $0x1BF5;
	p2 =	por !p2, p0  }
0x20: {  	[sflag:s8] =	ssyncset.s32 @!p0 $0xFFFFF086;
	s6 =	sadd.s32 @!p0 s3, s7;
	s7 =	simm.s32 @!p0 $0x108  }
0x21: {  	s3 =	sadd.s32 s3, s9;
	s6 =	sadd.s32 @!p0 $0x88, s6;
	s7 =	simm.s32 @p2 $0x1082  }
0x22: {  	[simem:s7], [sflag:s8] =	dma.local @!p0 [hbm:s6], $0xF7A  }
0x23: {  	s9 =	sor.u32 $0xD0000000, s2;
	s6 =	simm.s32 $0x108;
	_ =	swait.ge @!p0 [sflag:s8], $0x0  }
0x24: {  	s3 =	sadd.s32 $0x88, s3;
	s6 =	simm.s32 @!p1 $0x1082;
	[sflag:s4] =	ssyncset.s32 $0xFFFFF086  }
0x25: {  	[simem:s6], [sflag:s4] =	dma.local [hbm:s3], $0xF7A  }
0x26: {  	[smem:$0x3F91] =	sst s1;
	(tag) =	ssettag s2;
	_ =	strace s9  }
0x27: {  	s1 =	sld [smem:$0x3FA1]  }
0x28: {  	s2 =	sld [smem:$0x3FA2]  }
0x29: {  	s4 =	sld [smem:$0x3FA4]  }
0x2a: {  	p0 =	seq.s32 s5, $0x0;
	s5 =	sld [smem:$0x3FA5]  }
0x2b: {  	s6 =	sld [smem:$0x3FA6]  }
0x2c: {  	s7 =	sld [smem:$0x3FA7]  }
0x2d: {  	s3 =	simm.s32 $0x108;
	s8 =	sld [smem:$0x3FA8]  }
0x2e: {  	s3 =	simm.s32 @!p0 $0x1082;
	s9 =	sld [smem:$0x3FA9]  }
0x2f: {  	lr =	sadd.s32 s0, s3;
	s0 =	sld [smem:$0x3FA0]  }
0x30: {  	s3 =	sld [smem:$0x3FA3]  }
0x31: {  	[smem:$0x3FAC] =	sst s10  }
0x32: {  	s10 =	sld [smem:$0x3FAA];
	_ =	sdelay $0x3  }
0x33: {  	p0 =	seq.s32 s10, $0x1;
	s10 =	sld [smem:$0x3FAC];
	_ =	sdelay $0x3  }
0x34: {  	[smem:$0x3FAC] =	sst s10  }
0x35: {  	s10 =	sld [smem:$0x3FAB];
	_ =	sdelay $0x3  }
0x36: {  	p1 =	seq.s32 s10, $0x1;
	s10 =	sld [smem:$0x3FAC];
	_ =	sdelay $0x3  }
0x37: {  	[smem:$0x3FAC] =	sst s10  }
0x38: {  	s10 =	sld [smem:$0x3FAD]  }
0x39: {  	_ = 	snop;
	(pc) =	sbr.ind lr, $3  }
0x3a: {  	_ = 	snop  }
0x3b: {  	_ = 	snop  }
0x3c: {  	p2 =	seq.s32 s10, $0x1;
	s10 =	sld [smem:$0x3FAC]  }
0x3d: {  	_ =	shalt  }
0x3e: {  	_ =	shalt  }
0x3f: {  	_ =	shalt  }
0x40: {  	_ =	shalt  }
0x41: {  	_ =	shalt  }
0x42: {  	_ =	shalt  }
0x43: {  	_ =	shalt  }
0x44: {  	_ =	shalt  }
0x45: {  	_ =	shalt  }
0x46: {  	_ =	shalt  }
0x47: {  	_ =	shalt  }
0x48: {  	_ =	shalt  }
0x49: {  	_ =	shalt  }
0x4a: {  	_ =	shalt  }
0x4b: {  	_ =	shalt  }
0x4c: {  	_ =	shalt  }
0x4d: {  	_ =	shalt  }
0x4e: {  	_ =	shalt  }
0x4f: {  	_ =	shalt  }
0x50: {  	_ =	shalt  }
0x51: {  	_ =	shalt  }
0x52: {  	_ =	shalt  }
0x53: {  	_ =	shalt  }
0x54: {  	_ =	shalt  }
0x55: {  	_ =	shalt  }
0x56: {  	_ =	shalt  }
0x57: {  	_ =	shalt  }
0x58: {  	_ =	shalt  }
0x59: {  	_ =	shalt  }
0x5a: {  	_ =	shalt  }
0x5b: {  	_ =	shalt  }
0x5c: {  	_ =	shalt  }
0x5d: {  	_ =	shalt  }
0x5e: {  	_ =	shalt  }
0x5f: {  	_ =	shalt  }
0x60: {  	_ =	shalt  }
0x61: {  	_ =	shalt  }
0x62: {  	_ =	shalt  }
0x63: {  	_ =	shalt  }
0x64: {  	_ =	shalt  }
0x65: {  	_ =	shalt  }
0x66: {  	_ =	shalt  }
0x67: {  	_ =	shalt  }
0x68: {  	_ =	shalt  }
0x69: {  	_ =	shalt  }
0x6a: {  	_ =	shalt  }
0x6b: {  	_ =	shalt  }
0x6c: {  	_ =	shalt  }
0x6d: {  	_ =	shalt  }
0x6e: {  	_ =	shalt  }
0x6f: {  	_ =	shalt  }
0x70: {  	_ =	shalt  }
0x71: {  	_ =	shalt  }
0x72: {  	_ =	shalt  }
0x73: {  	_ =	shalt  }
0x74: {  	_ =	shalt  }
0x75: {  	_ =	shalt  }
0x76: {  	_ =	shalt  }
0x77: {  	_ =	shalt  }
0x78: {  	_ =	shalt  }
0x79: {  	_ =	shalt  }
0x7a: {  	_ =	shalt  }
0x7b: {  	_ =	shalt  }
0x7c: {  	_ =	shalt  }
0x7d: {  	_ =	shalt  }
0x7e: {  	_ =	shalt  }
0x7f: {  	_ =	shalt  }
0x80: {  	_ =	shalt  }
0x81: {  	_ =	shalt  }
0x82: {  	_ =	shalt  }
0x83: {  	_ =	shalt  }
0x84: {  	_ =	shalt  }
0x85: {  	_ =	shalt  }
0x86: {  	_ =	shalt  }
0x87: {  	_ =	shalt  }
.Lfunc_end0:
.L_simem_size_0:
called_computation_lowered:
.L_overlay_start_0:
0x88: {  	s2 =	sld [smem:$0x3FD9]  }
0x89: {  	s3 =	sld [smem:$0x3FFE];
	_ =	sdelay $0x1  }
0x8a: {  	s1 =	srdreg.scid  }
0x8b: {  	s0 =	sand.u32 $0x1, s1  }
0x8c: {  	s17 =	sshll.u32 s0, $0xA;
	s2 =	sadd.s32 s3, s2  }
0x8d: {  	s2 =	sadd.s32 s2, s17  }
0x8e: {  	[smem:$0x3FB8] =	sst s2  }
0x8f: {  	_ = 	snop  }
0x90: {  	s2 =	sld [smem:$0x3FD0];
	(tm) =	ssettm $0x1  }
0x91: {  	s18 =	sld [smem:$0x3FFB];
	_ =	sdelay $0x3  }
0x92: {  	_ =	strace s18  }
0x93: {  	s3 =	sld [smem:$0x3FFC];
	_ =	sdelay $0x3  }
0x94: {  	_ =	strace s3  }
0x95: {  	s3 =	sld [smem:$0x3FFD];
	_ =	sdelay $0x3  }
0x96: {  	_ =	strace s3  }
0x97: {  	_ =	strace $0x8FFFFFFF  }
0x98: {  	s19 =	sld [smem:$0x3FDB];
	_ =	sdelay $0x1  }
0x99: {  	s4 =	simm.s32 $_scs_section_size  }
0x9a: {  	s5 =	simm.s32 $_size__tile_overlayer_lowered;
	s6 =	simm.s32 $_tile_overlayer_lowered  }
0x9b: {  	s22 =	simm.s32 $0x1BFF;
	s21 =	sshll.u32 s6, $0x1;
	s3 =	sadd.s32 s4, s19  }
0x9c: {  	s7 =	simm.s32 $0x0;
	s20 =	sshll.u32 s5, $0x1;
	s5 =	sadd.s32 s21, s3  }
0x9d: {  	[timem:s7], [sflag:s22] =	dma.local [hbm:s5], s20  }
0x9e: {  	_ =	swait.ge [sflag:s22], s20  }
0x9f: {  	s4 =	ssub.s32 $0x0, s20;
	[sflag:s22] =	ssyncset.done $0x0  }
0xa0: {  	[sflag:s22] =	ssyncadd.s32 s4;
	_ =	sdelay $0x1  }
0xa1: {  	s23 =	simm.s32 $0x1B8B  }
0xa2: {  	_ =	swait.ge [sflag:s23], $0x1  }
0xa3: {  	[sflag:s23] =	ssyncset.done $0x0  }
0xa4: {  	s25 =	simm.s32 $0x1B8E;
	s24 =	sld [smem:$0x3FFE];
	[sflag:s23] =	ssyncadd.s32 $0xFFFFFFFF  }
0xa5: {  	s26 =	simm.s32 $execute0_lowered;
	[smem:$0x3FD2] =	sst s25  }
0xa6: {  	s5 =	sshll.u32 s26, $0x1;
	_ =	strace $0x80000046;
	[dreg:$0x1] =	wrdreg $0xFFFFFFFF  }
0xa7: {  	s28 =	simm.s32 $_size_execute0_lowered;
	s3 =	sadd.s32 s3, s5;
	[dreg:$0x0] =	wrdreg $0x0  }
0xa8: {  	s5 =	sshll.u32 s28, $0x1;
	[dreg:$0x2] =	wrdreg s3  }
0xa9: {  	[dreg:$0x3] =	wrdreg s5  }
0xaa: {  	[dreg:$0x4] =	wrdreg $0xC0  }
0xab: {  	_ =	task [dreg:s7], $0x5FFFF  }
0xac: {  	[dreg:$0x1] =	wrdreg $0xFFFFFFFF  }
0xad: {  	[dreg:$0x0] =	wrdreg $0x60  }
0xae: {  	[dreg:$0x2] =	wrdreg s24  }
0xaf: {  	[dreg:$0x3] =	wrdreg s2  }
0xb0: {  	[dreg:$0x4] =	wrdreg $0x130000  }
0xb1: {  	[dreg:$0x5] =	wrdreg $0x17E200  }
0xb2: {  	[dreg:$0x6] =	wrdreg $0x9  }
0xb3: {  	_ =	task.clear_ibuf [dreg:s7], $0x7FFFF;
	_ =	strace $0x90000046  }
0xb4: {  	s29 =	simm.s32 $0x9;
	_ =	strace $0x80000048  }
0xb5: {  	_ =	swait.ge [sflag:s29], $0x1  }
0xb6: {  	[sflag:s29] =	ssyncadd.s32 $0xFFFFFFFF  }
0xb7: {  	_ =	strace $0x90000048  }
0xb8: {  	_ =	sfence  }
0xb9: {  	s30 =	sld [smem:$0x0];
	_ =	sdelay $0x2  }
0xba: {  	s31 =	sshll.u32 s1, $0xD;
	s1 =	sshrl.u32 s1, $0x2  }
0xbb: {  	s3 =	sand.u32 $0x4000, s31;
	s1 =	sadd.s32 s1, s30  }
0xbc: {  	s0 =	sor.u32 s3, s0;
	s1 =	sshll.u32 s1, $0x11  }
0xbd: {  	s0 =	sor.u32 s1, s0  }
0xbe: {  	s0 =	sadd.s32 $0x8F2B, s0  }
0xbf: {  	[sflag:s0] =	ssyncadd.remote.s32 $0x1  }
0xc0: {  	_ =	sfence.sel $0xFFFF  }
0xc1: {  	[dreg:$0x0] =	wrdreg $0xFFFFFFFF;
	(pc) =	sbr.abs _section_cstart, $3  }
0xc2: {  	[dreg:$0x1] =	wrdreg $0xFFFFFFFF  }
0xc3: {  	_ =	task.clear_ibuf [dreg:s7], $0x2FFFF;
	_ =	strace $0x9FFFFFFF  }
0xc4: {  	(tm) =	ssettm $0x7FFFFFFF  }
0xc5: {  	_ =	shalt  }
tec
execute0_lowered:
.L_overlay_start_1:
0x0: {  	(tag) =	ssettag $0x1  }
0x1: {  	s0 =	rddreg [dreg:$0x0]  }
0x2: {  	s8 =	rddreg [dreg:$0x1]  }
0x3: {  	s1 =	srdreg.scid;
	s2 =	rddreg [dreg:$0x2]  }
0x4: {  	s16 =	stileid.u32;
	s3 =	rddreg [dreg:$0x3];
	s20 =	simm.s32 $0x5  }
0x5: {  	s22 =	simm.s32 $0x1;
	s28 =	simm.s32 $0x3;
	s29 =	simm.s32 $0x400  }
0x6: {  	s1 =	sand.u32 $0x1, s1;
	s4 =	smul.u32 $0x13880, s16;
	s11 =	sadd.s32 $0x2E00, s0  }
0x7: {  	s13 =	sadd.s32 $0x2AE00, s0;
	s14 =	smul.u32 $0x4E20, s16;
	s24 =	sshll.u32 s16, $0x6  }
0x8: {  	s5 =	sshll.u32 s1, $0x5;
	s7 =	ssub.s32 $0x2, s1;
	p0 =	seq.s32 s1, $0x0  }
0x9: {  	s6 =	sor.u32 s5, s4;
	s4 =	simm.s32 $0x0;
	s12 =	sshrl.u32 s7, $0x1  }
0xa: {  	s23 =	sshrl.u32 s14, $0x3;
	s19 =	sadd.s32 s14, s2;
	s25 =	sadd.s32 s14, s3  }
0xb: {  	s5 =	sadd.s32 $0x20, s6;
	[smem:$0x7FF] =	sst s4;
	s9 =	sshrl.u32 s6, $0x3  }
0xc: {  	s6 =	sadd.s32 $0x34E00, s0;
	s15 =	ssub.s32 s7, s12;
	s7 =	smul.u32 $0x5000, s16  }
0xd: {  	s8 =	sadd.s32 s8, s23;
	s19 =	sshrl.u32 s19, $0x3;
	s21 =	sshrl.u32 s25, $0x3  }
0xe: {  	s23 =	simm.s32 $0x4;
	s25 =	simm.s32 $0x0;
	s5 =	sshrl.u32 s5, $0x3  }
0xf: {  	_ =	strace $0x80000047;
	[dreg:$0x5] =	wrdreg s8;
	s6 =	smov.u32 @p0 s13  }
0x10: {  	s31 =	smax.u32 s15, $0x1;
	s10 =	sadd.s32 s5, s0;
	s5 =	sadd.s32 $0x16E00, s0  }
0x11: {  	v0 =	vimm.s32 $0x0;
	s0 =	sadd.s32 s9, s0;
	s9 =	sor.u32 $0x1C05, s24;
	s26 =	sshrl.u32 s7, $0x3  }
0x12: {  	v1 =	vimm.s32 $0x1;
	v2 =	vimm.s32 $0x2;
	v3 =	vimm.s32 $0x3;
	[dreg:$0x8] =	wrdreg s31;
	s24 =	simm.s32 $0x10;
	s10 =	sadd.s32 $0x3EE00, s10  }
0x13: {  	v4 =	vimm.s32 $0x4;
	v5 =	vimm.s32 $0x5;
	v6 =	vimm.s32 $0x6;
	s30 =	sor.u32 $0x80, s26;
	s0 =	sadd.s32 $0x66000, s0;
	[dreg:$0x6] =	wrdreg s10  }
0x14: {  	v7 =	vimm.s32 $0x7;
	v8 =	vimm.s32 $0x8;
	v9 =	vimm.s32 $0x9;
	s5 =	smov.u32 @p0 s11;
	s15 =	sadd.s32 s6, s26;
	[dreg:$0x7] =	wrdreg s0  }
0x15: {  	v10 =	vimm.s32 $0xA;
	v11 =	vimm.s32 $0xB;
	v12 =	vimm.s32 $0xC;
	s12 =	sadd.s32 s5, s26;
	s17 =	sadd.s32 s5, s30;
	s18 =	sadd.s32 s6, s30  }
0x16: {  	v13 =	vimm.s32 $0xD;
	v14 =	vimm.s32 $0xE;
	v15 =	vimm.s32 $0xF;
	s0 =	simm.s32 $0x2;
	s14 =	sadd.s32 $0xA000, s12;
	s16 =	sadd.s32 $0xA080, s12  }
.LBB2_1:
0x17: {  	s1 =	rddreg [dreg:$0x5]  }
0x18: {  	[spmem:s19], [sflag:s9] =	dma.local [hbm:s1], $0x9C4  }
0x19: {  	_ =	swait.ge [sflag:s20], $0x9C4  }
0x1a: {  	[sflag:s20] =	ssyncset.done $0x0  }
0x1b: {  	s8 =	rddreg [dreg:$0x6];
	[sflag:s20] =	ssyncadd.s32 $0xFFFFF63C  }
0x1c: {  	[spmem:s21@s23], [sflag:s9] =	dma.strided [hbm:s8@s24], $0x9C4, s22, $0x4   }
0x1d: {  	_ =	swait.ge [sflag:s20], $0x9C4  }
0x1e: {  	[sflag:s20] =	ssyncset.done $0x0  }
0x1f: {  	[sflag:s20] =	ssyncadd.s32 $0xFFFFF63C  }
0x20: {  	[bflag:$0x0] =	sbarrier.arrive $0xFFFF  }
0x21: {  	[tilespmem:s4], [sflag:$0x3] =	stream.linear.gather [hbm4b:s14+s4], $0x400, $0x38;
	[tilespmem:$0x1CC40] =	vst v63  }
0x22: {  	s10 =	simm.s32 $0x1000  }
0x23: {  	[tilespmem:s10], [sflag:$0x3] =	stream.linear.gather [hbm4b:s12+s4], $0x400, $0x38;
	[tilespmem:$0x1CC40] =	vst v63  }
0x24: {  	s11 =	simm.s32 $0x2000  }
0x25: {  	[tilespmem:s11], [sflag:$0x3] =	stream.linear.gather [hbm4b:s15+s4], $0x400, $0x38;
	[tilespmem:$0x1CC40] =	vst v63  }
0x26: {  	_ =	swait.ge [sflag:s28], $0x400  }
0x27: {  	[sflag:s28] =	ssyncset.done $0x0  }
0x28: {  	[sflag:s28] =	ssyncadd.s32 $0xFFFFFC00  }
0x29: {  	_ =	swait.ge [sflag:s28], $0x400  }
0x2a: {  	[sflag:s28] =	ssyncset.done $0x0  }
0x2b: {  	[sflag:s28] =	ssyncadd.s32 $0xFFFFFC00  }
0x2c: {  	_ =	swait.ge [sflag:s28], $0x400  }
0x2d: {  	[sflag:s28] =	ssyncset.done $0x0  }
0x2e: {  	[sflag:s28] =	ssyncadd.s32 $0xFFFFFC00  }
0x2f: {  	[tilespmem:s29], [sflag:$0x4] =	stream.linear.gather [hbm4b:s16+s4], $0x400, $0x38;
	[tilespmem:$0x1CC40] =	vst v63  }
0x30: {  	s13 =	simm.s32 $0x1400  }
0x31: {  	[tilespmem:s13], [sflag:$0x4] =	stream.linear.gather [hbm4b:s17+s4], $0x400, $0x38;
	[tilespmem:$0x1CC40] =	vst v63  }
0x32: {  	s26 =	simm.s32 $0x2400;
	s31 =	simm.s32 $0x3000  }
0x33: {  	[tilespmem:s26], [sflag:$0x4] =	stream.linear.gather [hbm4b:s18+s4], $0x400, $0x38;
	[tilespmem:$0x1CC40] =	vst v63  }
0x34: {  	p0 =	por $0x0, $0x0;
	s30 =	simm.s32 $0x0;
	s26 =	simm.s32 $0x0  }
0x35: {  	[tilespmem:s31], [sflag:$0x1] =	stream.indirect.gather [spmem:s3], $0x20, s4, s29, $0xb8;
	[tilespmem:$0x1CC40] =	vst v63  }
.LBB2_2:
0x36: {  	p1 =	sgt.u32 s30, $0x11  }
0x37: {  	s1 =	sshll.u32 @!p1 s30, $0xA  }
0x38: {  	s8 =	sand.u32 @!p1 $0x1, s30;
	s1 =	sadd.s32 @!p1 $0x800, s1  }
0x39: {  	s10 =	simm.s32 @!p1 $0xC00;
	p2 =	seq.s32 @!p1 s8, $0x1;
	s8 =	sadd.s32 @!p1 s7, s1  }
0x3a: {  	s11 =	simm.s32 @!p1 $0x4;
	p2 =	por !p2, p1;
	s8 =	sshrl.u32 @!p1 s8, $0x3  }
0x3b: {  	s31 =	simm.s32 @!p1 $0x0;
	s10 =	simm.s32 @p2 $0x800;
	s13 =	sadd.s32 @!p1 s5, s8  }
0x3c: {  	s11 =	simm.s32 @p2 $0x3;
	s1 =	sand.u32 @!p1 s10, s1;
	s10 =	sadd.s32 @!p1 $0xA000, s13  }
0x3d: {  	[tilespmem:s1], [sflag:s11] =	stream.linear.gather @!p1 [hbm4b:s10+s31], $0x400, $0x38;
	[tilespmem:$0x1CC40] =	vst v63  }
0x3e: {  	s10 =	sor.u32 @!p1 $0x1000, s1  }
0x3f: {  	[tilespmem:s10], [sflag:s11] =	stream.linear.gather @!p1 [hbm4b:s13+s31], $0x400, $0x38;
	[tilespmem:$0x1CC40] =	vst v63  }
0x40: {  	s8 =	sadd.s32 @!p1 s6, s8;
	s1 =	sor.u32 @!p1 $0x2000, s1  }
0x41: {  	[tilespmem:s1], [sflag:s11] =	stream.linear.gather @!p1 [hbm4b:s8+s31], $0x400, $0x38;
	[tilespmem:$0x1CC40] =	vst v63  }
0x42: {  	p1 =	seq.s32 s30, $0x0  }
.Ltmp0:
0x43: {  	_ = 	snop;
	(pc) =	sbr.rel @p1 .LBB2_3-.Ltmp0, $4  }
0x44: {  	s1 =	simm.s32 $0x1  }
0x45: {  	_ =	swait.ge [sflag:s1], $0x8000  }
0x46: {  	[sflag:s1] =	ssyncset.done $0x0  }
0x47: {  	[sflag:s1] =	ssyncadd.s32 $0xFFFF8000  }
0x48: {  	p1 =	seq.s32 s30, $0x13  }
.Ltmp1:
0x49: {  	_ = 	snop;
	(pc) =	sbr.rel @p1 .LBB2_7-.Ltmp1, $4  }
0x4a: {  	_ = 	snop  }
0x4b: {  	_ =	swait.ge [sflag:s0], $0x8000  }
0x4c: {  	[sflag:s0] =	ssyncset.done $0x0  }
0x4d: {  	[sflag:s0] =	ssyncadd.s32 $0xFFFF8000  }
.Ltmp2:
0x4e: {  	(pc) =	sbr.rel .LBB2_6-.Ltmp2, $4  }
0x4f: {  	s1 =	sadd.s32 $0x1, s30  }
0x50: {  	s8 =	sand.u32 $0x1, s1  }
0x51: {  	p1 =	seq.s32 s8, $0x1;
	s8 =	simm.s32 $0x4  }
0x52: {  	s8 =	simm.s32 @!p1 $0x3  }
.LBB2_3:
0x53: {  	s8 =	simm.s32 $0x4  }
.LBB2_6:
0x54: {  	_ =	swait.ge [sflag:s8], $0x400  }
0x55: {  	[sflag:s8] =	ssyncset.done $0x0  }
0x56: {  	[sflag:s8] =	ssyncadd.s32 $0xFFFFFC00  }
0x57: {  	_ =	swait.ge [sflag:s8], $0x400  }
0x58: {  	[sflag:s8] =	ssyncset.done $0x0  }
0x59: {  	[sflag:s8] =	ssyncadd.s32 $0xFFFFFC00  }
0x5a: {  	s10 =	sshll.u32 s1, $0xF;
	_ =	swait.ge [sflag:s8], $0x400  }
0x5b: {  	s13 =	sshll.u32 s1, $0xA;
	s10 =	sand.u32 $0x8000, s10;
	[sflag:s8] =	ssyncset.done $0x0  }
0x5c: {  	s1 =	sand.u32 $0xC00, s13;
	s31 =	sor.u32 $0x3000, s10;
	[sflag:s8] =	ssyncadd.s32 $0xFFFFFC00  }
0x5d: {  	[tilespmem:s31], [sflag:$0x1] =	stream.indirect.gather [spmem:s3], $0x20, s1, s29, $0xb8;
	[tilespmem:$0x1CC40] =	vst v63  }
.LBB2_7:
0x5e: {  	s1 =	simm.s32 $0x1  }
0x5f: {  	s1 =	simm.s32 @!p0 $0x0  }
0x60: {  	s1 =	sshll.u32 s1, $0xF  }
0x61: {  	s31 =	sor.u32 $0x3100, s1  }
0x62: {  	v22 =	vld [tilespmem:s31+$0xFFFFFFA0]  }
0x63: {  	s10 =	sand.u32 $0x3, s26;
	v19 =	vld [tilespmem:s31+$0xFFFFFFF0]  }
0x64: {  	s1 =	sshll.u32 s10, $0xA;
	v16 =	vld [tilespmem:s31+$0xFFFFFF60]  }
0x65: {  	s1 =	sor.u32 $0x2000, s1;
	v23 =	vld [tilespmem:s31+$0xFFFFFFD0]  }
0x66: {  	v24 =	vld [tilespmem:s31+$0x80];
	v20 =	vmov s1  }
0x67: {  	v27 =	vld [tilespmem:s31+$0xFFFFFF10]  }
0x68: {  	v31 =	vld [tilespmem:s31+$0xE0]  }
0x69: {  	v26 =	vld [tilespmem:s31+$0xFFFFFF40]  }
0x6a: {  	s11 =	simm.s32 $0x0;
	v18 =	vld [tilespmem:s31+$0xFFFFFF90]  }
0x6b: {  	v17 =	vld.idx.msk [tilespmem:v20+s11+$0x0 ss:$0x1], $0xffff  }
0x6c: {  	v25 =	vld [tilespmem:s31+$0xFFFFFFC0]  }
0x6d: {  	v29 =	vld [tilespmem:s31+$0xFFFFFF00]  }
0x6e: {  	v28 =	vld [tilespmem:s31+$0xD0]  }
0x6f: {  	v38 =	vld [tilespmem:s31+$0xC0]  }
0x70: {  	v36 =	vld [tilespmem:s31+$0x90];
	v34 =	vperm.xlane v17, v0;
	v21 =	vperm.xlane v17, v15  }
0x71: {  	s13 =	sshll.u32 s30, $0xF;
	s8 =	sshll.u32 s30, $0xC;
	v37 =	vld [tilespmem:s31+$0xFFFFFF50];
	v35 =	vperm.xlane v17, v2;
	v32 =	vperm.xlane v17, v14  }
0x72: {  	s8 =	sand.u32 $0x3000, s8;
	v33 =	vld [tilespmem:s31+$0xB0];
	s1 =	sand.u32 $0x8000, s13;
	v30 =	vperm.xlane v17, v12;
	v40 =	vmul.f32 v29, v34  }
0x73: {  	s10 =	simm.s32 $0x40;
	s1 =	sor.u32 $0x3000, s1;
	s11 =	smov.u32 s31;
	v29 =	vperm.xlane v17, v13;
	v39 =	vmul.f32 v26, v35;
	v26 =	vld [tilespmem:s31+$0x60]  }
.LBB2_8:
0x74: {  	p1 =	sne.s32 s10, $0xFC0  }
0x75: {  	[tilespmem:s31+$0xFFFFFF00] =	vst v40;
	v40 =	vld [tilespmem:s31+$0xFFFFFFB0];
	v38 =	vmul.f32 v38, v32;
	v31 =	vmul.f32 v31, v21;
	s11 =	sadd.s32 $0x200, s11;
	s13 =	smov.u32 s10;
	s10 =	sadd.s32 $0x40, s10  }
0x76: {  	[tilespmem:s31+$0xFFFFFF40] =	vst v39;
	v39 =	vperm.xlane v17, v10;
	v36 =	vmul.f32 v36, v30;
	v41 =	vld [tilespmem:s31+$0xA0]  }
0x77: {  	v27 =	vmul.f32 v27, v34;
	v34 =	vmul.f32 v37, v35;
	v35 =	vld [tilespmem:s31+$0x70];
	[tilespmem:s31+$0xE0] =	vst v31  }
0x78: {  	v31 =	vperm.xlane v17, v5;
	v37 =	vld [tilespmem:s31+$0xFFFFFFE0];
	v33 =	vmul.f32 v33, v29;
	[tilespmem:s31+$0xC0] =	vst v38  }
0x79: {  	v28 =	vmul.f32 v28, v32;
	[tilespmem:s31+$0xFFFFFF10] =	vst v27;
	v27 =	vperm.xlane v17, v6;
	v38 =	vld [tilespmem:s31+$0x40]  }
0x7a: {  	v42 =	vperm.xlane v17, v11;
	v22 =	vmul.f32 v22, v31;
	v32 =	vld [tilespmem:s31+$0xFFFFFF20];
	[tilespmem:s31+$0x90] =	vst v36  }
0x7b: {  	[tilespmem:s31+$0xFFFFFF50] =	vst v34;
	v34 =	vperm.xlane v17, v9;
	v36 =	vld [tilespmem:s31+$0x20];
	v29 =	vmul.f32 v41, v29  }
0x7c: {  	v31 =	vmul.f32 v40, v31;
	v40 =	vld [tilespmem:s31+$0x50];
	v35 =	vmul.f32 v35, v42;
	[tilespmem:s31+$0xD0] =	vst v28  }
0x7d: {  	v24 =	vmul.f32 v24, v30;
	v28 =	vperm.xlane v17, v7;
	v41 =	vld [tilespmem:s31+$0x30];
	[tilespmem:s31+$0xA0] =	vst v29  }
0x7e: {  	v25 =	vmul.f32 v25, v27;
	v29 =	vperm.xlane v17, v3;
	v30 =	vld [tilespmem:s31+$0x0];
	[tilespmem:s31+$0x70] =	vst v35  }
0x7f: {  	v26 =	vmul.f32 v26, v42;
	v23 =	vmul.f32 v23, v27;
	v27 =	vld [tilespmem:s31+$0x10];
	[tilespmem:s31+$0x80] =	vst v24  }
0x80: {  	v35 =	vperm.xlane v17, v8;
	v38 =	vmul.f32 v38, v39;
	v24 =	vld [tilespmem:s31+$0xFFFFFF30];
	[tilespmem:s31+$0xB0] =	vst v33  }
0x81: {  	v33 =	vperm.xlane v17, v1;
	v42 =	vld [tilespmem:s31+$0xFFFFFF70];
	[tilespmem:s31+$0xFFFFFFD0] =	vst v23;
	v39 =	vmul.f32 v40, v39  }
0x82: {  	v19 =	vmul.f32 v19, v28;
	v23 =	vmul.f32 v37, v28;
	[tilespmem:s31+$0xFFFFFFC0] =	vst v25;
	v25 =	vld [tilespmem:s31+$0xF0]  }
0x83: {  	v37 =	vmul.f32 v41, v34;
	v28 =	vld [tilespmem:s31+$0xFFFFFF80];
	[tilespmem:s31+$0xFFFFFFA0] =	vst v22;
	v30 =	vmul.f32 v30, v35  }
0x84: {  	v22 =	vld [tilespmem:s11+$0xFFFFFFA0];
	[tilespmem:s31+$0xFFFFFFF0] =	vst v19;
	v35 =	vmul.f32 v27, v35;
	v27 =	vmul.f32 v36, v34  }
0x85: {  	v19 =	vmul.f32 v32, v33;
	v32 =	vmul.f32 v24, v33;
	[tilespmem:s31+$0x60] =	vst v26  }
0x86: {  	v16 =	vmul.f32 v16, v29;
	v24 =	vmul.f32 v42, v29;
	[tilespmem:s31+$0xFFFFFFB0] =	vst v31  }
0x87: {  	v17 =	vperm.xlane v17, v4;
	[tilespmem:s31+$0xFFFFFF20] =	vst v19;
	v19 =	vmul.f32 v25, v21  }
0x88: {  	[tilespmem:s31+$0xFFFFFF60] =	vst v16  }
0x89: {  	v21 =	vmul.f32 v28, v17;
	v16 =	vmul.f32 v18, v17;
	[tilespmem:s31+$0x40] =	vst v38  }
0x8a: {  	[tilespmem:s31+$0xFFFFFFE0] =	vst v23  }
0x8b: {  	[tilespmem:s31+$0xF0] =	vst v19  }
0x8c: {  	[tilespmem:s31+$0xFFFFFF90] =	vst v16  }
0x8d: {  	[tilespmem:s31+$0xFFFFFF70] =	vst v24  }
0x8e: {  	v19 =	vld [tilespmem:s11+$0xFFFFFFF0];
	[tilespmem:s31+$0x20] =	vst v27  }
0x8f: {  	v16 =	vld [tilespmem:s11+$0xFFFFFF60];
	[tilespmem:s31+$0x30] =	vst v37  }
0x90: {  	v23 =	vld [tilespmem:s11+$0xFFFFFFD0];
	[tilespmem:s31+$0xFFFFFF80] =	vst v21  }
0x91: {  	v24 =	vld [tilespmem:s11+$0x80];
	[tilespmem:s31+$0x50] =	vst v39  }
0x92: {  	v27 =	vld [tilespmem:s11+$0xFFFFFF10];
	[tilespmem:s31+$0x0] =	vst v30  }
0x93: {  	v31 =	vld [tilespmem:s11+$0xE0];
	[tilespmem:s31+$0xFFFFFF30] =	vst v32  }
0x94: {  	s13 =	sshra.s32 s13, $0x2;
	v26 =	vld [tilespmem:s11+$0xFFFFFF40];
	[tilespmem:s31+$0x10] =	vst v35;
	s31 =	smov.u32 s11  }
0x95: {  	v17 =	vld.idx.msk [tilespmem:v20+s13+$0x0 ss:$0x1], $0xffff  }
0x96: {  	v18 =	vld [tilespmem:s11+$0xFFFFFF90]  }
0x97: {  	v25 =	vld [tilespmem:s11+$0xFFFFFFC0]  }
0x98: {  	v29 =	vld [tilespmem:s11+$0xFFFFFF00]  }
0x99: {  	v28 =	vld [tilespmem:s11+$0xD0]  }
.Ltmp3:
0x9a: {  	v38 =	vld [tilespmem:s11+$0xC0];
	(pc) =	sbr.rel @p1 .LBB2_8-.Ltmp3, $4  }
0x9b: {  	v34 =	vperm.xlane v17, v0;
	v21 =	vperm.xlane v17, v15;
	v36 =	vld [tilespmem:s11+$0x90]  }
0x9c: {  	v35 =	vperm.xlane v17, v2;
	v32 =	vperm.xlane v17, v14;
	v37 =	vld [tilespmem:s11+$0xFFFFFF50]  }
0x9d: {  	v40 =	vmul.f32 v29, v34;
	v29 =	vperm.xlane v17, v13;
	v33 =	vld [tilespmem:s11+$0xB0]  }
0x9e: {  	v30 =	vperm.xlane v17, v12;
	v39 =	vmul.f32 v26, v35;
	v26 =	vld [tilespmem:s11+$0x60]  }
0x9f: {  	[tilespmem:s31+$0xFFFFFF00] =	vst v40;
	v20 =	vmul.f32 v31, v21  }
0xa0: {  	v52 =	vmul.f32 v38, v32;
	[tilespmem:s31+$0xFFFFFF40] =	vst v39  }
0xa1: {  	v27 =	vmul.f32 v27, v34;
	[tilespmem:s31+$0xE0] =	vst v20  }
0xa2: {  	v57 =	vmul.f32 v28, v32;
	[tilespmem:s31+$0xC0] =	vst v52  }
0xa3: {  	v55 =	vmul.f32 v36, v30;
	[tilespmem:s31+$0xFFFFFF10] =	vst v27  }
0xa4: {  	v63 =	vperm.xlane v17, v6;
	v24 =	vmul.f32 v24, v30;
	[tilespmem:s31+$0xD0] =	vst v57  }
0xa5: {  	v35 =	vmul.f32 v37, v35;
	[tilespmem:s31+$0x90] =	vst v55  }
0xa6: {  	v43 =	vperm.xlane v17, v5;
	v23 =	vmul.f32 v23, v63;
	[tilespmem:s31+$0x80] =	vst v24  }
0xa7: {  	v45 =	vperm.xlane v17, v7;
	v25 =	vmul.f32 v25, v63;
	[tilespmem:s31+$0xFFFFFF50] =	vst v35  }
0xa8: {  	v22 =	vmul.f32 v22, v43;
	[tilespmem:s31+$0xFFFFFFD0] =	vst v23  }
0xa9: {  	v53 =	vld [tilespmem:s31+$0xA0];
	v59 =	vperm.xlane v17, v11;
	v19 =	vmul.f32 v19, v45;
	[tilespmem:s31+$0xFFFFFFC0] =	vst v25  }
0xaa: {  	v54 =	vld [tilespmem:s31+$0x70];
	v52 =	vperm.xlane v17, v3;
	v41 =	vmul.f32 v33, v29;
	[tilespmem:s31+$0xFFFFFFA0] =	vst v22  }
0xab: {  	v56 =	vld [tilespmem:s31+$0xFFFFFFB0];
	v57 =	vperm.xlane v17, v4;
	v26 =	vmul.f32 v26, v59;
	[tilespmem:s31+$0xFFFFFFF0] =	vst v19  }
0xac: {  	v58 =	vld [tilespmem:s31+$0xFFFFFF20];
	v16 =	vmul.f32 v16, v52;
	[tilespmem:s31+$0xB0] =	vst v41  }
0xad: {  	v60 =	vld [tilespmem:s31+$0xFFFFFFE0];
	v18 =	vmul.f32 v18, v57;
	[tilespmem:s31+$0x60] =	vst v26  }
0xae: {  	v47 =	vld [tilespmem:s31+$0xFFFFFF70];
	v61 =	vmul.f32 v53, v29;
	[tilespmem:s31+$0xFFFFFF60] =	vst v16  }
0xaf: {  	v62 =	vld [tilespmem:s31+$0x40];
	v50 =	vperm.xlane v17, v1;
	v34 =	vmul.f32 v54, v59;
	[tilespmem:s31+$0xFFFFFF90] =	vst v18  }
0xb0: {  	v44 =	vld [tilespmem:s31+$0x30];
	v51 =	vmul.f32 v56, v43;
	[tilespmem:s31+$0xA0] =	vst v61  }
0xb1: {  	v53 =	vld [tilespmem:s31+$0xF0];
	v28 =	vmul.f32 v58, v50;
	[tilespmem:s31+$0x70] =	vst v34  }
0xb2: {  	v48 =	vld [tilespmem:s31+$0xFFFFFF80];
	v54 =	vperm.xlane v17, v10;
	v20 =	vmul.f32 v60, v45;
	[tilespmem:s31+$0xFFFFFFB0] =	vst v51  }
0xb3: {  	v42 =	vld [tilespmem:s31+$0x20];
	v58 =	vperm.xlane v17, v9;
	v59 =	vmul.f32 v47, v52;
	[tilespmem:s31+$0xFFFFFF20] =	vst v28  }
0xb4: {  	v46 =	vld [tilespmem:s31+$0x0];
	v56 =	vmul.f32 v62, v54;
	[tilespmem:s31+$0xFFFFFFE0] =	vst v20  }
0xb5: {  	v40 =	vld [tilespmem:s31+$0x50];
	v60 =	vmul.f32 v44, v58;
	[tilespmem:s31+$0xFFFFFF70] =	vst v59  }
0xb6: {  	v55 =	vld [tilespmem:s31+$0xFFFFFF30];
	[tilespmem:s31+$0x40] =	vst v56;
	v16 =	vmul.f32 v53, v21  }
0xb7: {  	v49 =	vld [tilespmem:s31+$0x10];
	v17 =	vperm.xlane v17, v8;
	v61 =	vmul.f32 v48, v57;
	[tilespmem:s31+$0x30] =	vst v60  }
0xb8: {  	[tilespmem:s31+$0xF0] =	vst v16;
	v16 =	vmul.f32 v42, v58  }
0xb9: {  	s30 =	sadd.s32 $0x1, s30;
	v62 =	vmul.f32 v46, v17;
	[tilespmem:s31+$0xFFFFFF80] =	vst v61  }
0xba: {  	p1 =	sne.s32 s30, $0x14;
	[tilespmem:s31+$0x20] =	vst v16;
	v16 =	vmul.f32 v40, v54  }
.Ltmp4:
0xbb: {  	v63 =	vmul.f32 v55, v50;
	[tilespmem:s31+$0x0] =	vst v62;
	(pc) =	sbr.rel @p1 .LBB2_2-.Ltmp4, $4  }
0xbc: {  	[tilespmem:s31+$0x50] =	vst v16;
	v16 =	vmul.f32 v49, v17  }
0xbd: {  	s8 =	sshrl.u32 s8, $0x2;
	[tilespmem:s31+$0xFFFFFF30] =	vst v63  }
0xbe: {  	s26 =	sadd.s32 $0x1, s26;
	p0 =	por !p0, !p0;
	s8 =	sor.u32 $0x1000, s8;
	[tilespmem:s31+$0x10] =	vst v16  }
0xbf: {  	[spmem:s2] =	stream.indirect.scatter.add.f32 [tilespmem:s1], [sflag:$0x2], $0x20, s8, s29, $0xb8;
	[tilespmem:$0x1CC40] =	vst v63  }
0xc0: {  	_ =	swait.ge [sflag:s0], $0x8000  }
0xc1: {  	[sflag:s0] =	ssyncset.done $0x0  }
0xc2: {  	[sflag:s0] =	ssyncadd.s32 $0xFFFF8000  }
0xc3: {  	[bflag:$0x0] =	sbarrier.arrive $0xFFFF  }
0xc4: {  	s1 =	rddreg [dreg:$0x7]  }
0xc5: {  	[hbm:s1@s24], [sflag:s9] =	dma.strided [spmem:s19@s23], $0x9C4, s22, $0x4   }
0xc6: {  	_ =	swait.ge [sflag:s20], $0x9C4  }
0xc7: {  	s25 =	sadd.s32 $0x1, s25;
	s31 =	rddreg [dreg:$0x8]  }
0xc8: {  	p0 =	sne.s32 s25, s31  }
.Ltmp5:
0xc9: {  	_ = 	snop;
	(pc) =	sbr.rel @p0 .LBB2_1-.Ltmp5, $3  }
0xca: {  	_ =	sdelay $0x1  }
0xcb: {  	[sflag:s20] =	ssyncset.done $0x0  }
0xcc: {  	[sflag:s20] =	ssyncadd.s32 $0xFFFFF63C  }
0xcd: {  	_ =	sfence.sel $0x180000  }
0xce: {  	[bflag:$0x0] =	sbarrier.arrive $0xFFFF  }
0xcf: {  	_ =	strace $0x90000047  }
0xd0: {  	s0 =	stileid.u32;
	[bflag:$0x2] =	sbarrier.arrive $0xFFFF  }
0xd1: {  	p0 =	sne.s32 s0, $0x0;
	s0 =	rddreg [dreg:$0x4]  }
0xd2: {  	s0 =	sadd.s32 @!p0 $0x100000, s0  }
0xd3: {  	[sflag:s0] =	ssyncadd.tile.s32 @!p0 $0x1;
	_ =	shalt  }
.Lfunc_end2:
_tile_overlayer_lowered:
.L_overlay_start_2:
0xd4: {  	(tag) =	ssettag $0x2  }
0xd5: {  	s0 =	rddreg [dreg:$0x0];
	s2 =	stileid.u32  }
0xd6: {  	s1 =	rddreg [dreg:$0x1];
	p0 =	sne.s32 s2, $0x0  }
0xd7: {  	s3 =	rddreg [dreg:$0x2];
	[bflag:$0x3] =	sbarrier.arrive $0xFFFF;
	s2 =	simm.s32 @!p0 $0x1C05  }
0xd8: {  	[timem:s3], [sflag:s2] =	dma.local @!p0 [hbm:s0], s1  }
0xd9: {  	s0 =	simm.s32 @!p0 $0x5  }
0xda: {  	_ =	swait.ge @!p0 [sflag:s0], s1  }
0xdb: {  	s1 =	ssub.s32 @!p0 $0x0, s1;
	[sflag:s0] =	ssyncset.done @!p0 $0x0  }
0xdc: {  	[sflag:s0] =	ssyncadd.s32 @!p0 s1  }
0xdd: {  	[bflag:$0x3] =	sbarrier.arrive $0xFFFF  }
0xde: {  	_ =	shalt  }

</sc_bundles>
